<compile_context>
chip_gen: v7x
topology: tpu7x:2x2x1
jax: 0.10.2.dev20260603
libtpu: 0.0.44.dev20260713+nightly
codegen_flags: <defaults>
</compile_context>

<pallas_src>
import functools

import jax
import jax.numpy as jnp
from jax import lax
from jax.experimental import pallas as pl
from jax.experimental.pallas import tpu as pltpu
from jax.experimental.pallas import tpu_sc as plsc

N = 10000
E = 320000
D = 128

NC = 2
NS = 16
NW = NC * NS
L = 16

K = 125
NB = 80
EPT = NB * K
NCH = 2
CHB = NB // NCH
NT = CHB // 2

N_PAD = 10240
RPT = N_PAD // NS
SR = 80
HR = N_PAD // D

_MESH = plsc.VectorSubcoreMesh(
    core_axis_name="c", subcore_axis_name="s", num_cores=NC, num_subcores=NS)
_SC_PARAMS = pltpu.CompilerParams(needs_layout_passes=False)


@functools.partial(
    pl.kernel,
    out_type=jax.ShapeDtypeStruct((NC, HR, D), jnp.float32),
    mesh=_MESH,
    scratch_types=[
        pltpu.VMEM((HR, D), jnp.float32),
        pltpu.VMEM((EPT,), jnp.int32),
        pltpu.VMEM((HR,), jnp.int32),
        pltpu.VMEM_SHARED((HR, D), jnp.float32),
    ],
    compiler_params=_SC_PARAMS,
)
def _deg_kernel(dst_hbm, out_hbm, hist_v, idx_v, rows_i, hist_sh):
    cid = lax.axis_index("c")
    sid = lax.axis_index("s")
    wid = cid * NS + sid

    zeros16 = jnp.zeros((L,), jnp.float32)
    ones16 = jnp.ones((L,), jnp.float32)
    iota16 = lax.iota(jnp.int32, L)

    def zero_row(r, carry):
        def zero_col(col, c2):
            hist_v[r, pl.ds(col * L, L)] = zeros16
            return c2
        return lax.fori_loop(0, D // L, zero_col, carry)

    lax.fori_loop(0, HR, zero_row, 0)

    def iota_body(i, carry):
        rows_i[pl.ds(i * L, L)] = iota16 + i * L
        return carry

    lax.fori_loop(0, HR // L, iota_body, 0)

    @pl.when(sid == 0)
    def _():
        pltpu.sync_copy(hist_v, hist_sh)

    pltpu.sync_copy(dst_hbm.at[pl.ds(wid * EPT, EPT)], idx_v)

    def acc_body(j, carry):
        idx = idx_v[pl.ds(j * L, L)]
        plsc.addupdate_scatter(hist_v, [idx >> 7, idx & 127], ones16)
        return carry

    lax.fori_loop(0, EPT // L, acc_body, 0)

    plsc.subcore_barrier()
    pltpu.sync_copy(hist_v, hist_sh.at[rows_i], add=True)
    plsc.subcore_barrier()

    @pl.when(sid == 0)
    def _():
        pltpu.sync_copy(hist_sh, out_hbm.at[cid])


def _mm_body(x_ref, w_ref, degp_ref, g_ref, dis_ref):
    deg = jnp.sum(degp_ref[...], axis=0) + 1.0
    dis = lax.rsqrt(deg)
    h = jnp.dot(x_ref[...], w_ref[...], preferred_element_type=jnp.float32)
    g_ref[...] = h * dis
    dis_ref[...] = dis


def _matmul_scale(x, w, degp3):
    BM = 2000
    grid = (N // BM,)
    return pl.pallas_call(
        _mm_body,
        grid=grid,
        in_specs=[
            pl.BlockSpec((BM, D), lambda i: (i, 0)),
            pl.BlockSpec((D, D), lambda i: (0, 0)),
            pl.BlockSpec((NC, BM, 1), lambda i: (0, i, 0)),
        ],
        out_specs=[
            pl.BlockSpec((BM, D), lambda i: (i, 0)),
            pl.BlockSpec((BM, 1), lambda i: (i, 0)),
        ],
        out_shape=[
            jax.ShapeDtypeStruct((N_PAD, D), jnp.float32),
            jax.ShapeDtypeStruct((N, 1), jnp.float32),
        ],
    )(x, w, degp3)


@functools.partial(
    pl.kernel,
    out_type=jax.ShapeDtypeStruct((NC, N_PAD, D), jnp.float32),
    mesh=_MESH,
    scratch_types=[
        pltpu.VMEM_SHARED((N_PAD, D), jnp.float32),
        pltpu.VMEM((CHB, K), jnp.int32),
        pltpu.VMEM((CHB, K), jnp.int32),
        pltpu.VMEM((K, D), jnp.float32),
        pltpu.VMEM((K, D), jnp.float32),
        pltpu.SemaphoreType.DMA,
        pltpu.SemaphoreType.DMA,
    ],
    compiler_params=_SC_PARAMS,
)
def _agg_kernel(g_hbm, src_hbm, dst_hbm, out_hbm,
                acc_sh, src_t, dst_t, rows_a, rows_b, gsem_a, gsem_b):
    cid = lax.axis_index("c")
    sid = lax.axis_index("s")
    wid = cid * NS + sid
    row0 = sid * RPT

    seed_g = jnp.logical_xor(cid == 1, sid < NS // 2)

    @pl.when(seed_g)
    def _():
        for j in range(RPT // SR):
            pltpu.sync_copy(g_hbm.at[pl.ds(row0 + j * SR, SR)],
                            rows_a.at[pl.ds(0, SR)])
            pltpu.sync_copy(rows_a.at[pl.ds(0, SR)],
                            acc_sh.at[pl.ds(row0 + j * SR, SR)])

    @pl.when(jnp.logical_not(seed_g))
    def _():
        zeros16 = jnp.zeros((L,), jnp.float32)

        def zrow(r, carry):
            def zcol(col, c2):
                rows_a[r, pl.ds(col * L, L)] = zeros16
                return c2
            return lax.fori_loop(0, D // L, zcol, carry)

        lax.fori_loop(0, SR, zrow, 0)
        for j in range(RPT // SR):
            pltpu.sync_copy(rows_a.at[pl.ds(0, SR)],
                            acc_sh.at[pl.ds(row0 + j * SR, SR)])

    plsc.subcore_barrier()

    KH = 64

    def gather2(j, rows, gsem):
        pltpu.async_copy(g_hbm.at[src_t.at[j, pl.ds(0, KH)]],
                         rows.at[pl.ds(0, KH)], gsem)
        pltpu.async_copy(g_hbm.at[src_t.at[j, pl.ds(KH, K - KH)]],
                         rows.at[pl.ds(KH, K - KH)], gsem)

    def wait2(j, rows, gsem):
        pltpu.make_async_copy(g_hbm.at[src_t.at[j, pl.ds(0, KH)]],
                              rows.at[pl.ds(0, KH)], gsem).wait()
        pltpu.make_async_copy(g_hbm.at[src_t.at[j, pl.ds(KH, K - KH)]],
                              rows.at[pl.ds(KH, K - KH)], gsem).wait()

    for c in range(NCH):
        pltpu.sync_copy(src_hbm.at[wid, c], src_t)
        pltpu.sync_copy(dst_hbm.at[wid, c], dst_t)
        gather2(0, rows_a, gsem_a)

        def edge_body(t, carry):
            ja = 2 * t
            jb = 2 * t + 1
            wait2(ja, rows_a, gsem_a)
            gather2(jb, rows_b, gsem_b)
            pltpu.sync_copy(rows_a, acc_sh.at[dst_t.at[ja]], add=True)
            wait2(jb, rows_b, gsem_b)

            @pl.when(t + 1 < NT)
            def _():
                gather2(ja + 2, rows_a, gsem_a)

            pltpu.sync_copy(rows_b, acc_sh.at[dst_t.at[jb]], add=True)
            return carry

        lax.fori_loop(0, NT, edge_body, 0)

    plsc.subcore_barrier()

    pltpu.sync_copy(acc_sh.at[pl.ds(row0, RPT)],
                    out_hbm.at[cid, pl.ds(row0, RPT)])


def _fin_body(aggp_ref, dis_ref, b_ref, out_ref):
    s = aggp_ref[0] + aggp_ref[1]
    out_ref[...] = jnp.maximum(s * dis_ref[...] + b_ref[...], 0.0)


def _finalize(aggp, dis, b2):
    BM = 2000
    grid = (N // BM,)
    return pl.pallas_call(
        _fin_body,
        grid=grid,
        in_specs=[
            pl.BlockSpec((NC, BM, D), lambda i: (0, i, 0)),
            pl.BlockSpec((BM, 1), lambda i: (i, 0)),
            pl.BlockSpec((1, D), lambda i: (0, 0)),
        ],
        out_specs=pl.BlockSpec((BM, D), lambda i: (i, 0)),
        out_shape=jax.ShapeDtypeStruct((N, D), jnp.float32),
    )(aggp, dis, b2)


def kernel(x, edge_index, W, b):
    src = edge_index[0]
    dst = edge_index[1]
    src4 = src.reshape(NW, NCH, CHB, K)
    dst4 = dst.reshape(NW, NCH, CHB, K)
    degp = _deg_kernel(dst)
    degp3 = degp.reshape(NC, N_PAD, 1)
    g, dis = _matmul_scale(x, W, degp3)
    aggp = _agg_kernel(g, src4, dst4)
    return _finalize(aggp, dis, b.reshape(1, D))

# --- scband reference (transcript-rebuilt; emitter-appended) ---
"""Pipeline reference for scband-gcnhlayer-12635793785486 (READ-ONLY COPY).

The authoritative reference and input builder live on the scoring server;
editing this copy changes nothing except your own understanding.
"""

import jax, jax.numpy as jnp
import numpy as np

N = 10000
E = 320000
D_IN = 128
D_OUT = 128


def setup_inputs(seed: int = 0) -> dict:
    key = jax.random.key(seed)
    k1, k2, k3 = jax.random.split(key, 3)
    x = jax.random.normal(k1, (N, D_IN), dtype=jnp.float32)
    edge_index = jax.random.randint(k2, (2, E), 0, N, dtype=jnp.int32)
    # GCNConv learned params: lin weight (no bias in lin) + conv bias
    scale = float(np.sqrt(2.0 / (D_IN + D_OUT)))
    W = jax.random.normal(k3, (D_IN, D_OUT), dtype=jnp.float32) * scale
    b = jnp.zeros((D_OUT,), dtype=jnp.float32)
    return {"x": x, "edge_index": edge_index, "W": W, "b": b}


def reference(x, edge_index, W, b):
    # GCNConv with add_self_loops=True, symmetric normalization, then ReLU (norm=None)
    n = x.shape[0]
    src = edge_index[0]
    dst = edge_index[1]
    loop = jnp.arange(n, dtype=src.dtype)
    src = jnp.concatenate([src, loop], axis=0)
    dst = jnp.concatenate([dst, loop], axis=0)
    ones = jnp.ones(src.shape[0], dtype=x.dtype)
    deg = jax.ops.segment_sum(ones, dst, num_segments=n)
    deg_inv_sqrt = jnp.where(deg > 0, deg ** -0.5, 0.0)
    norm = deg_inv_sqrt[src] * deg_inv_sqrt[dst]
    h = x @ W
    msg = h[src] * norm[:, None]
    agg = jax.ops.segment_sum(msg, dst, num_segments=n)
    out = agg + b
    return jax.nn.relu(out)

if __name__ == "__main__":
    import jax
    _d = setup_inputs()
    print(jax.jit(kernel)(*tuple(_d.values())))

</pallas_src>

<mosaic_0001>
#map = affine_map<(d0, d1) -> (0)>
#map1 = affine_map<(d0, d1) -> (0, 0, 0)>
module attributes {stable_mosaic.version = 14 : i64} {
  func.func @_deg_kernel(%arg0: i32, %arg1: i32, %arg2: memref<320000xi32, #tpu.memory_space<hbm>>, %arg3: memref<2x80x128xf32, #tpu.memory_space<hbm>>, %arg4: memref<80x128xf32, #tpu.memory_space<vmem>>, %arg5: memref<10000xi32, #tpu.memory_space<vmem>>, %arg6: memref<80xi32, #tpu.memory_space<vmem>>, %arg7: memref<80x128xf32, #tpu.memory_space<vmem_shared>>) attributes {dimension_semantics = [#tpu.dimension_semantics<core_parallel>, #tpu.dimension_semantics<subcore_parallel>], iteration_bounds = array<i64: 2, 16>, scalar_prefetch = 0 : i64, scratch_operands = 4 : i64, tpu.core_type = #tpu.core_type<sc_vector_subcore>, window_params = [{transform_indices = #map}, {transform_indices = #map1}]} {
    %mul3A = arith.constant 16 : i32
    %mul3A_0 = arith.muli %arg0, %mul3A : i32
    %add3A = arith.addi %mul3A_0, %arg1 : i32
    %broadcast_in_dim3A = arith.constant 0.000000e+00 : f32
    %broadcast_in_dim3A_1 = vector.broadcast %broadcast_in_dim3A : f32 to vector<16xf32>
    %broadcast_in_dim3A_2 = arith.constant 1.000000e+00 : f32
    %broadcast_in_dim3A_3 = vector.broadcast %broadcast_in_dim3A_2 : f32 to vector<16xf32>
    %iota3A = tpu.iota {dimensions = array<i32: 0>} : vector<16xi32>
    %scan3A = arith.constant 0 : i32
    %scan3A_4 = arith.constant 0 : i32
    %scan3A_5 = arith.constant 80 : i32
    %scan3A_6 = arith.addi %scan3A_4, %scan3A_5 : i32
    %scan3A_7 = arith.constant 1 : i32
    scf.for %scan3A_31 = %scan3A_4 to %scan3A_6 step %scan3A_7  : i32 {
      %scan3A_32 = arith.constant 0 : i32
      %scan3A_33 = arith.constant 8 : i32
      %scan3A_34 = arith.addi %scan3A_32, %scan3A_33 : i32
      %scan3A_35 = arith.constant 1 : i32
      scf.for %scan3A_37 = %scan3A_32 to %scan3A_34 step %scan3A_35  : i32 {
        %mul3A_38 = arith.constant 16 : i32
        %mul3A_39 = arith.muli %scan3A_37, %mul3A_38 : i32
        %swap3A = arith.index_cast %scan3A_31 : i32 to index
        %swap3A_40 = arith.index_cast %mul3A_39 : i32 to index
        %swap3A_41 = tpu.vector_load %arg4[%swap3A, %swap3A_40] {strides = array<i32>} : memref<80x128xf32, #tpu.memory_space<vmem>>, vector<16xf32>,
        tpu.vector_store %arg4[%swap3A, %swap3A_40], %broadcast_in_dim3A_1 {strides = array<i32>} : memref<80x128xf32, #tpu.memory_space<vmem>>, vector<16xf32>,
      }
      %scan3A_36 = arith.constant 8 : i32
    }
    %scan3A_8 = arith.constant 80 : i32
    %scan3A_9 = arith.constant 0 : i32
    %scan3A_10 = arith.constant 0 : i32
    %scan3A_11 = arith.constant 5 : i32
    %scan3A_12 = arith.addi %scan3A_10, %scan3A_11 : i32
    %scan3A_13 = arith.constant 1 : i32
    scf.for %scan3A_31 = %scan3A_10 to %scan3A_12 step %scan3A_13  : i32 {
      %mul3A_32 = arith.constant 16 : i32
      %mul3A_33 = arith.muli %scan3A_31, %mul3A_32 : i32
      %add3A_34 = vector.broadcast %mul3A_33 : i32 to vector<16xi32>
      %add3A_35 = arith.addi %iota3A, %add3A_34 : vector<16xi32>
      %mul3A_36 = arith.constant 16 : i32
      %mul3A_37 = arith.muli %scan3A_31, %mul3A_36 : i32
      %swap3A = arith.index_cast %mul3A_37 : i32 to index
      %swap3A_38 = tpu.vector_load %arg6[%swap3A] {strides = array<i32>} : memref<80xi32, #tpu.memory_space<vmem>>, vector<16xi32>,
      tpu.vector_store %arg6[%swap3A], %add3A_35 {strides = array<i32>} : memref<80xi32, #tpu.memory_space<vmem>>, vector<16xi32>,
    }
    %scan3A_14 = arith.constant 5 : i32
    %eq3A = arith.constant 0 : i32
    %eq3A_15 = arith.cmpi eq, %arg1, %eq3A : i32
    %convert_element_type3A = arith.extui %eq3A_15 : i1 to i32
    %cond3A = arith.constant 0 : i32
    %cond3A_16 = arith.cmpi ne, %convert_element_type3A, %cond3A : i32
    scf.if %cond3A_16 {
      "tpu.region"() ({
        %run_scoped3A = tpu.sem_alloc : memref<!tpu.dma_semaphore, #tpu.memory_space<semaphore_mem>>
        tpu.enqueue_dma source(%arg4 : memref<80x128xf32, #tpu.memory_space<vmem>>) target(%arg7 : memref<80x128xf32, #tpu.memory_space<vmem_shared>>) target_semaphore(%run_scoped3A : memref<!tpu.dma_semaphore, #tpu.memory_space<semaphore_mem>>)
        tpu.wait_dma2 semaphore(%run_scoped3A : memref<!tpu.dma_semaphore, #tpu.memory_space<semaphore_mem>>) src(%arg4 : memref<80x128xf32, #tpu.memory_space<vmem>>) dst(%arg7 : memref<80x128xf32, #tpu.memory_space<vmem_shared>>)
        tpu.yield
      }) : () -> ()
    } else {
    }
    %mul3A_17 = arith.constant 10000 : i32
    %mul3A_18 = arith.muli %add3A, %mul3A_17 : i32
    "tpu.region"() ({
      %run_scoped3A = tpu.sem_alloc : memref<!tpu.dma_semaphore, #tpu.memory_space<semaphore_mem>>
      %dma_start3A = tpu.memref_slice %arg2[%mul3A_18] : memref<320000xi32, #tpu.memory_space<hbm>> -> memref<10000xi32, #tpu.memory_space<hbm>>
      %dma_start3A_31 = tpu.memref_slice %arg2[%mul3A_18] : memref<320000xi32, #tpu.memory_space<hbm>> -> memref<10000xi32, #tpu.memory_space<hbm>>
      tpu.enqueue_dma source(%dma_start3A_31 : memref<10000xi32, #tpu.memory_space<hbm>>) target(%arg5 : memref<10000xi32, #tpu.memory_space<vmem>>) target_semaphore(%run_scoped3A : memref<!tpu.dma_semaphore, #tpu.memory_space<semaphore_mem>>)
      %dma_wait3A = tpu.memref_slice %arg2[%mul3A_18] : memref<320000xi32, #tpu.memory_space<hbm>> -> memref<10000xi32, #tpu.memory_space<hbm>>
      %dma_wait3A_32 = tpu.memref_slice %arg2[%mul3A_18] : memref<320000xi32, #tpu.memory_space<hbm>> -> memref<10000xi32, #tpu.memory_space<hbm>>
      tpu.wait_dma2 semaphore(%run_scoped3A : memref<!tpu.dma_semaphore, #tpu.memory_space<semaphore_mem>>) src(%dma_wait3A_32 : memref<10000xi32, #tpu.memory_space<hbm>>) dst(%arg5 : memref<10000xi32, #tpu.memory_space<vmem>>)
      tpu.yield
    }) : () -> ()
    %scan3A_19 = arith.constant 0 : i32
    %scan3A_20 = arith.constant 0 : i32
    %scan3A_21 = arith.constant 625 : i32
    %scan3A_22 = arith.addi %scan3A_20, %scan3A_21 : i32
    %scan3A_23 = arith.constant 1 : i32
    scf.for %scan3A_31 = %scan3A_20 to %scan3A_22 step %scan3A_23  : i32 {
      %mul3A_32 = arith.constant 16 : i32
      %mul3A_33 = arith.muli %scan3A_31, %mul3A_32 : i32
      %get3A = arith.index_cast %mul3A_33 : i32 to index
      %get3A_34 = tpu.vector_load %arg5[%get3A] {strides = array<i32>} : memref<10000xi32, #tpu.memory_space<vmem>>, vector<16xi32>,
      %shift_right_arithmetic3A = arith.constant 7 : i32
      %shift_right_arithmetic3A_35 = vector.broadcast %shift_right_arithmetic3A : i32 to vector<16xi32>
      %shift_right_arithmetic3A_36 = arith.shrsi %get3A_34, %shift_right_arithmetic3A_35 : vector<16xi32>
      %and3A = arith.constant 127 : i32
      %and3A_37 = vector.broadcast %and3A : i32 to vector<16xi32>
      %and3A_38 = arith.andi %get3A_34, %and3A_37 : vector<16xi32>
      tpu.vector_store_idx %arg4[%shift_right_arithmetic3A_36, %and3A_38], %broadcast_in_dim3A_3 {add = true} : memref<80x128xf32, #tpu.memory_space<vmem>>[vector<16xi32>, vector<16xi32>], vector<16xf32>,
    }
    %scan3A_24 = arith.constant 625 : i32
    %barrier3A = arith.constant 0 : index
    tpu.barrier barrier_id(%barrier3A)
    "tpu.region"() ({
      %run_scoped3A = tpu.sem_alloc : memref<!tpu.dma_semaphore, #tpu.memory_space<semaphore_mem>>
      %dma_start3A = arith.constant 0 : i32
      %dma_start3A_31 = arith.constant 0 : i32
      %dma_start3A_32 = tpu.memref_slice %arg7[%dma_start3A, %dma_start3A_31] : memref<80x128xf32, #tpu.memory_space<vmem_shared>> -> memref<80x128xf32, #tpu.memory_space<vmem_shared>>
      tpu.enqueue_indirect_dma source(%arg4 : memref<80x128xf32, #tpu.memory_space<vmem>>) target(%dma_start3A_32 : memref<80x128xf32, #tpu.memory_space<vmem_shared>>) offsets(%arg6 : memref<80xi32, #tpu.memory_space<vmem>>) semaphore(%run_scoped3A : memref<!tpu.dma_semaphore, #tpu.memory_space<semaphore_mem>>) {add = true}
      %dma_wait3A = arith.constant 0 : i32
      %dma_wait3A_33 = arith.constant 0 : i32
      %dma_wait3A_34 = tpu.memref_slice %arg7[%dma_wait3A, %dma_wait3A_33] : memref<80x128xf32, #tpu.memory_space<vmem_shared>> -> memref<80x128xf32, #tpu.memory_space<vmem_shared>>
      tpu.wait_indirect_dma semaphore(%run_scoped3A : memref<!tpu.dma_semaphore, #tpu.memory_space<semaphore_mem>>) src(%arg4 : memref<80x128xf32, #tpu.memory_space<vmem>>) dst(%dma_wait3A_34 : memref<80x128xf32, #tpu.memory_space<vmem_shared>>)
      tpu.yield
    }) : () -> ()
    %barrier3A_25 = arith.constant 0 : index
    tpu.barrier barrier_id(%barrier3A_25)
    %eq3A_26 = arith.constant 0 : i32
    %eq3A_27 = arith.cmpi eq, %arg1, %eq3A_26 : i32
    %convert_element_type3A_28 = arith.extui %eq3A_27 : i1 to i32
    %cond3A_29 = arith.constant 0 : i32
    %cond3A_30 = arith.cmpi ne, %convert_element_type3A_28, %cond3A_29 : i32
    scf.if %cond3A_30 {
      "tpu.region"() ({
        %run_scoped3A = tpu.sem_alloc : memref<!tpu.dma_semaphore, #tpu.memory_space<semaphore_mem>>
        %dma_start3A = arith.constant 0 : i32
        %dma_start3A_31 = arith.constant 0 : i32
        %dma_start3A_32 = tpu.memref_slice %arg3[%arg0, %dma_start3A, %dma_start3A_31] : memref<2x80x128xf32, #tpu.memory_space<hbm>> -> memref<1x80x128xf32, #tpu.memory_space<hbm>>
        %dma_start3A_33 = tpu.memref_squeeze %dma_start3A_32 : memref<1x80x128xf32, #tpu.memory_space<hbm>> -> memref<80x128xf32, #tpu.memory_space<hbm>>
        tpu.enqueue_dma source(%arg7 : memref<80x128xf32, #tpu.memory_space<vmem_shared>>) target(%dma_start3A_33 : memref<80x128xf32, #tpu.memory_space<hbm>>) target_semaphore(%run_scoped3A : memref<!tpu.dma_semaphore, #tpu.memory_space<semaphore_mem>>)
        %dma_wait3A = arith.constant 0 : i32
        %dma_wait3A_34 = arith.constant 0 : i32
        %dma_wait3A_35 = tpu.memref_slice %arg3[%arg0, %dma_wait3A, %dma_wait3A_34] : memref<2x80x128xf32, #tpu.memory_space<hbm>> -> memref<1x80x128xf32, #tpu.memory_space<hbm>>
        %dma_wait3A_36 = tpu.memref_squeeze %dma_wait3A_35 : memref<1x80x128xf32, #tpu.memory_space<hbm>> -> memref<80x128xf32, #tpu.memory_space<hbm>>
        tpu.wait_dma2 semaphore(%run_scoped3A : memref<!tpu.dma_semaphore, #tpu.memory_space<semaphore_mem>>) src(%arg7 : memref<80x128xf32, #tpu.memory_space<vmem_shared>>) dst(%dma_wait3A_36 : memref<80x128xf32, #tpu.memory_space<hbm>>)
        tpu.yield
      }) : () -> ()
    } else {
    }
    return
  }
}

#map = affine_map<(d0, d1) -> (0, 0)>
#map1 = affine_map<(d0, d1) -> (0, 0, 0, 0)>
#map2 = affine_map<(d0, d1) -> (0, 0, 0)>
module attributes {stable_mosaic.version = 14 : i64} {
  func.func @_agg_kernel(%arg0: i32, %arg1: i32, %arg2: memref<10240x128xf32, #tpu.memory_space<hbm>>, %arg3: memref<32x2x40x125xi32, #tpu.memory_space<hbm>>, %arg4: memref<32x2x40x125xi32, #tpu.memory_space<hbm>>, %arg5: memref<2x10240x128xf32, #tpu.memory_space<hbm>>, %arg6: memref<10240x128xf32, #tpu.memory_space<vmem_shared>>, %arg7: memref<40x125xi32, #tpu.memory_space<vmem>>, %arg8: memref<40x125xi32, #tpu.memory_space<vmem>>, %arg9: memref<125x128xf32, #tpu.memory_space<vmem>>, %arg10: memref<125x128xf32, #tpu.memory_space<vmem>>, %arg11: memref<!tpu.dma_semaphore, #tpu.memory_space<semaphore_mem>>, %arg12: memref<!tpu.dma_semaphore, #tpu.memory_space<semaphore_mem>>) attributes {dimension_semantics = [#tpu.dimension_semantics<core_parallel>, #tpu.dimension_semantics<subcore_parallel>], iteration_bounds = array<i64: 2, 16>, scalar_prefetch = 0 : i64, scratch_operands = 7 : i64, tpu.core_type = #tpu.core_type<sc_vector_subcore>, window_params = [{transform_indices = #map}, {transform_indices = #map1}, {transform_indices = #map1}, {transform_indices = #map2}]} {
    %mul3A = arith.constant 16 : i32
    %mul3A_0 = arith.muli %arg0, %mul3A : i32
    %add3A = arith.addi %mul3A_0, %arg1 : i32
    %mul3A_1 = arith.constant 640 : i32
    %mul3A_2 = arith.muli %arg1, %mul3A_1 : i32
    %eq3A = arith.constant 1 : i32
    %eq3A_3 = arith.cmpi eq, %arg0, %eq3A : i32
    %lt3A = arith.constant 8 : i32
    %lt3A_4 = arith.cmpi slt, %arg1, %lt3A : i32
    %xor3A = arith.xori %eq3A_3, %lt3A_4 : i1
    %convert_element_type3A = arith.extui %xor3A : i1 to i32
    %cond3A = arith.constant 0 : i32
    %cond3A_5 = arith.cmpi ne, %convert_element_type3A, %cond3A : i32
    scf.if %cond3A_5 {
      %add3A_64 = arith.constant 0 : i32
      %add3A_65 = arith.addi %mul3A_2, %add3A_64 : i32
      "tpu.region"() ({
        %run_scoped3A_96 = tpu.sem_alloc : memref<!tpu.dma_semaphore, #tpu.memory_space<semaphore_mem>>
        %dma_start3A_97 = arith.constant 0 : i32
        %dma_start3A_98 = arith.constant 0 : i32
        %dma_start3A_99 = tpu.memref_slice %arg9[%dma_start3A_97, %dma_start3A_98] : memref<125x128xf32, #tpu.memory_space<vmem>> -> memref<80x128xf32, #tpu.memory_space<vmem>>
        %dma_start3A_100 = arith.constant 0 : i32
        %dma_start3A_101 = tpu.memref_slice %arg2[%add3A_65, %dma_start3A_100] : memref<10240x128xf32, #tpu.memory_space<hbm>> -> memref<80x128xf32, #tpu.memory_space<hbm>>
        %dma_start3A_102 = arith.constant 0 : i32
        %dma_start3A_103 = arith.constant 0 : i32
        %dma_start3A_104 = tpu.memref_slice %arg9[%dma_start3A_102, %dma_start3A_103] : memref<125x128xf32, #tpu.memory_space<vmem>> -> memref<80x128xf32, #tpu.memory_space<vmem>>
        %dma_start3A_105 = arith.constant 0 : i32
        %dma_start3A_106 = tpu.memref_slice %arg2[%add3A_65, %dma_start3A_105] : memref<10240x128xf32, #tpu.memory_space<hbm>> -> memref<80x128xf32, #tpu.memory_space<hbm>>
        tpu.enqueue_dma source(%dma_start3A_106 : memref<80x128xf32, #tpu.memory_space<hbm>>) target(%dma_start3A_104 : memref<80x128xf32, #tpu.memory_space<vmem>>) target_semaphore(%run_scoped3A_96 : memref<!tpu.dma_semaphore, #tpu.memory_space<semaphore_mem>>)
        %dma_wait3A = arith.constant 0 : i32
        %dma_wait3A_107 = arith.constant 0 : i32
        %dma_wait3A_108 = tpu.memref_slice %arg9[%dma_wait3A, %dma_wait3A_107] : memref<125x128xf32, #tpu.memory_space<vmem>> -> memref<80x128xf32, #tpu.memory_space<vmem>>
        %dma_wait3A_109 = arith.constant 0 : i32
        %dma_wait3A_110 = tpu.memref_slice %arg2[%add3A_65, %dma_wait3A_109] : memref<10240x128xf32, #tpu.memory_space<hbm>> -> memref<80x128xf32, #tpu.memory_space<hbm>>
        %dma_wait3A_111 = arith.constant 0 : i32
        %dma_wait3A_112 = arith.constant 0 : i32
        %dma_wait3A_113 = tpu.memref_slice %arg9[%dma_wait3A_111, %dma_wait3A_112] : memref<125x128xf32, #tpu.memory_space<vmem>> -> memref<80x128xf32, #tpu.memory_space<vmem>>
        %dma_wait3A_114 = arith.constant 0 : i32
        %dma_wait3A_115 = tpu.memref_slice %arg2[%add3A_65, %dma_wait3A_114] : memref<10240x128xf32, #tpu.memory_space<hbm>> -> memref<80x128xf32, #tpu.memory_space<hbm>>
        tpu.wait_dma2 semaphore(%run_scoped3A_96 : memref<!tpu.dma_semaphore, #tpu.memory_space<semaphore_mem>>) src(%dma_wait3A_115 : memref<80x128xf32, #tpu.memory_space<hbm>>) dst(%dma_wait3A_113 : memref<80x128xf32, #tpu.memory_space<vmem>>)
        tpu.yield
      }) : () -> ()
      %add3A_66 = arith.constant 0 : i32
      %add3A_67 = arith.addi %mul3A_2, %add3A_66 : i32
      "tpu.region"() ({
        %run_scoped3A_96 = tpu.sem_alloc : memref<!tpu.dma_semaphore, #tpu.memory_space<semaphore_mem>>
        %dma_start3A_97 = arith.constant 0 : i32
        %dma_start3A_98 = arith.constant 0 : i32
        %dma_start3A_99 = tpu.memref_slice %arg9[%dma_start3A_97, %dma_start3A_98] : memref<125x128xf32, #tpu.memory_space<vmem>> -> memref<80x128xf32, #tpu.memory_space<vmem>>
        %dma_start3A_100 = arith.constant 0 : i32
        %dma_start3A_101 = tpu.memref_slice %arg6[%add3A_67, %dma_start3A_100] : memref<10240x128xf32, #tpu.memory_space<vmem_shared>> -> memref<80x128xf32, #tpu.memory_space<vmem_shared>>
        %dma_start3A_102 = arith.constant 0 : i32
        %dma_start3A_103 = tpu.memref_slice %arg6[%add3A_67, %dma_start3A_102] : memref<10240x128xf32, #tpu.memory_space<vmem_shared>> -> memref<80x128xf32, #tpu.memory_space<vmem_shared>>
        %dma_start3A_104 = arith.constant 0 : i32
        %dma_start3A_105 = arith.constant 0 : i32
        %dma_start3A_106 = tpu.memref_slice %arg9[%dma_start3A_104, %dma_start3A_105] : memref<125x128xf32, #tpu.memory_space<vmem>> -> memref<80x128xf32, #tpu.memory_space<vmem>>
        tpu.enqueue_dma source(%dma_start3A_106 : memref<80x128xf32, #tpu.memory_space<vmem>>) target(%dma_start3A_103 : memref<80x128xf32, #tpu.memory_space<vmem_shared>>) target_semaphore(%run_scoped3A_96 : memref<!tpu.dma_semaphore, #tpu.memory_space<semaphore_mem>>)
        %dma_wait3A = arith.constant 0 : i32
        %dma_wait3A_107 = arith.constant 0 : i32
        %dma_wait3A_108 = tpu.memref_slice %arg9[%dma_wait3A, %dma_wait3A_107] : memref<125x128xf32, #tpu.memory_space<vmem>> -> memref<80x128xf32, #tpu.memory_space<vmem>>
        %dma_wait3A_109 = arith.constant 0 : i32
        %dma_wait3A_110 = tpu.memref_slice %arg6[%add3A_67, %dma_wait3A_109] : memref<10240x128xf32, #tpu.memory_space<vmem_shared>> -> memref<80x128xf32, #tpu.memory_space<vmem_shared>>
        %dma_wait3A_111 = arith.constant 0 : i32
        %dma_wait3A_112 = tpu.memref_slice %arg6[%add3A_67, %dma_wait3A_111] : memref<10240x128xf32, #tpu.memory_space<vmem_shared>> -> memref<80x128xf32, #tpu.memory_space<vmem_shared>>
        %dma_wait3A_113 = arith.constant 0 : i32
        %dma_wait3A_114 = arith.constant 0 : i32
        %dma_wait3A_115 = tpu.memref_slice %arg9[%dma_wait3A_113, %dma_wait3A_114] : memref<125x128xf32, #tpu.memory_space<vmem>> -> memref<80x128xf32, #tpu.memory_space<vmem>>
        tpu.wait_dma2 semaphore(%run_scoped3A_96 : memref<!tpu.dma_semaphore, #tpu.memory_space<semaphore_mem>>) src(%dma_wait3A_115 : memref<80x128xf32, #tpu.memory_space<vmem>>) dst(%dma_wait3A_112 : memref<80x128xf32, #tpu.memory_space<vmem_shared>>)
        tpu.yield
      }) : () -> ()
      %add3A_68 = arith.constant 80 : i32
      %add3A_69 = arith.addi %mul3A_2, %add3A_68 : i32
      "tpu.region"() ({
        %run_scoped3A_96 = tpu.sem_alloc : memref<!tpu.dma_semaphore, #tpu.memory_space<semaphore_mem>>
        %dma_start3A_97 = arith.constant 0 : i32
        %dma_start3A_98 = arith.constant 0 : i32
        %dma_start3A_99 = tpu.memref_slice %arg9[%dma_start3A_97, %dma_start3A_98] : memref<125x128xf32, #tpu.memory_space<vmem>> -> memref<80x128xf32, #tpu.memory_space<vmem>>
        %dma_start3A_100 = arith.constant 0 : i32
        %dma_start3A_101 = tpu.memref_slice %arg2[%add3A_69, %dma_start3A_100] : memref<10240x128xf32, #tpu.memory_space<hbm>> -> memref<80x128xf32, #tpu.memory_space<hbm>>
        %dma_start3A_102 = arith.constant 0 : i32
        %dma_start3A_103 = arith.constant 0 : i32
        %dma_start3A_104 = tpu.memref_slice %arg9[%dma_start3A_102, %dma_start3A_103] : memref<125x128xf32, #tpu.memory_space<vmem>> -> memref<80x128xf32, #tpu.memory_space<vmem>>
        %dma_start3A_105 = arith.constant 0 : i32
        %dma_start3A_106 = tpu.memref_slice %arg2[%add3A_69, %dma_start3A_105] : memref<10240x128xf32, #tpu.memory_space<hbm>> -> memref<80x128xf32, #tpu.memory_space<hbm>>
        tpu.enqueue_dma source(%dma_start3A_106 : memref<80x128xf32, #tpu.memory_space<hbm>>) target(%dma_start3A_104 : memref<80x128xf32, #tpu.memory_space<vmem>>) target_semaphore(%run_scoped3A_96 : memref<!tpu.dma_semaphore, #tpu.memory_space<semaphore_mem>>)
        %dma_wait3A = arith.constant 0 : i32
        %dma_wait3A_107 = arith.constant 0 : i32
        %dma_wait3A_108 = tpu.memref_slice %arg9[%dma_wait3A, %dma_wait3A_107] : memref<125x128xf32, #tpu.memory_space<vmem>> -> memref<80x128xf32, #tpu.memory_space<vmem>>
        %dma_wait3A_109 = arith.constant 0 : i32
        %dma_wait3A_110 = tpu.memref_slice %arg2[%add3A_69, %dma_wait3A_109] : memref<10240x128xf32, #tpu.memory_space<hbm>> -> memref<80x128xf32, #tpu.memory_space<hbm>>
        %dma_wait3A_111 = arith.constant 0 : i32
        %dma_wait3A_112 = arith.constant 0 : i32
        %dma_wait3A_113 = tpu.memref_slice %arg9[%dma_wait3A_111, %dma_wait3A_112] : memref<125x128xf32, #tpu.memory_space<vmem>> -> memref<80x128xf32, #tpu.memory_space<vmem>>
        %dma_wait3A_114 = arith.constant 0 : i32
        %dma_wait3A_115 = tpu.memref_slice %arg2[%add3A_69, %dma_wait3A_114] : memref<10240x128xf32, #tpu.memory_space<hbm>> -> memref<80x128xf32, #tpu.memory_space<hbm>>
        tpu.wait_dma2 semaphore(%run_scoped3A_96 : memref<!tpu.dma_semaphore, #tpu.memory_space<semaphore_mem>>) src(%dma_wait3A_115 : memref<80x128xf32, #tpu.memory_space<hbm>>) dst(%dma_wait3A_113 : memref<80x128xf32, #tpu.memory_space<vmem>>)
        tpu.yield
      }) : () -> ()
      %add3A_70 = arith.constant 80 : i32
      %add3A_71 = arith.addi %mul3A_2, %add3A_70 : i32
      "tpu.region"() ({
        %run_scoped3A_96 = tpu.sem_alloc : memref<!tpu.dma_semaphore, #tpu.memory_space<semaphore_mem>>
        %dma_start3A_97 = arith.constant 0 : i32
        %dma_start3A_98 = arith.constant 0 : i32
        %dma_start3A_99 = tpu.memref_slice %arg9[%dma_start3A_97, %dma_start3A_98] : memref<125x128xf32, #tpu.memory_space<vmem>> -> memref<80x128xf32, #tpu.memory_space<vmem>>
        %dma_start3A_100 = arith.constant 0 : i32
        %dma_start3A_101 = tpu.memref_slice %arg6[%add3A_71, %dma_start3A_100] : memref<10240x128xf32, #tpu.memory_space<vmem_shared>> -> memref<80x128xf32, #tpu.memory_space<vmem_shared>>
        %dma_start3A_102 = arith.constant 0 : i32
        %dma_start3A_103 = tpu.memref_slice %arg6[%add3A_71, %dma_start3A_102] : memref<10240x128xf32, #tpu.memory_space<vmem_shared>> -> memref<80x128xf32, #tpu.memory_space<vmem_shared>>
        %dma_start3A_104 = arith.constant 0 : i32
        %dma_start3A_105 = arith.constant 0 : i32
        %dma_start3A_106 = tpu.memref_slice %arg9[%dma_start3A_104, %dma_start3A_105] : memref<125x128xf32, #tpu.memory_space<vmem>> -> memref<80x128xf32, #tpu.memory_space<vmem>>
        tpu.enqueue_dma source(%dma_start3A_106 : memref<80x128xf32, #tpu.memory_space<vmem>>) target(%dma_start3A_103 : memref<80x128xf32, #tpu.memory_space<vmem_shared>>) target_semaphore(%run_scoped3A_96 : memref<!tpu.dma_semaphore, #tpu.memory_space<semaphore_mem>>)
        %dma_wait3A = arith.constant 0 : i32
        %dma_wait3A_107 = arith.constant 0 : i32
        %dma_wait3A_108 = tpu.memref_slice %arg9[%dma_wait3A, %dma_wait3A_107] : memref<125x128xf32, #tpu.memory_space<vmem>> -> memref<80x128xf32, #tpu.memory_space<vmem>>
        %dma_wait3A_109 = arith.constant 0 : i32
        %dma_wait3A_110 = tpu.memref_slice %arg6[%add3A_71, %dma_wait3A_109] : memref<10240x128xf32, #tpu.memory_space<vmem_shared>> -> memref<80x128xf32, #tpu.memory_space<vmem_shared>>
        %dma_wait3A_111 = arith.constant 0 : i32
        %dma_wait3A_112 = tpu.memref_slice %arg6[%add3A_71, %dma_wait3A_111] : memref<10240x128xf32, #tpu.memory_space<vmem_shared>> -> memref<80x128xf32, #tpu.memory_space<vmem_shared>>
        %dma_wait3A_113 = arith.constant 0 : i32
        %dma_wait3A_114 = arith.constant 0 : i32
        %dma_wait3A_115 = tpu.memref_slice %arg9[%dma_wait3A_113, %dma_wait3A_114] : memref<125x128xf32, #tpu.memory_space<vmem>> -> memref<80x128xf32, #tpu.memory_space<vmem>>
        tpu.wait_dma2 semaphore(%run_scoped3A_96 : memref<!tpu.dma_semaphore, #tpu.memory_space<semaphore_mem>>) src(%dma_wait3A_115 : memref<80x128xf32, #tpu.memory_space<vmem>>) dst(%dma_wait3A_112 : memref<80x128xf32, #tpu.memory_space<vmem_shared>>)
        tpu.yield
      }) : () -> ()
      %add3A_72 = arith.constant 160 : i32
      %add3A_73 = arith.addi %mul3A_2, %add3A_72 : i32
      "tpu.region"() ({
        %run_scoped3A_96 = tpu.sem_alloc : memref<!tpu.dma_semaphore, #tpu.memory_space<semaphore_mem>>
        %dma_start3A_97 = arith.constant 0 : i32
        %dma_start3A_98 = arith.constant 0 : i32
        %dma_start3A_99 = tpu.memref_slice %arg9[%dma_start3A_97, %dma_start3A_98] : memref<125x128xf32, #tpu.memory_space<vmem>> -> memref<80x128xf32, #tpu.memory_space<vmem>>
        %dma_start3A_100 = arith.constant 0 : i32
        %dma_start3A_101 = tpu.memref_slice %arg2[%add3A_73, %dma_start3A_100] : memref<10240x128xf32, #tpu.memory_space<hbm>> -> memref<80x128xf32, #tpu.memory_space<hbm>>
        %dma_start3A_102 = arith.constant 0 : i32
        %dma_start3A_103 = arith.constant 0 : i32
        %dma_start3A_104 = tpu.memref_slice %arg9[%dma_start3A_102, %dma_start3A_103] : memref<125x128xf32, #tpu.memory_space<vmem>> -> memref<80x128xf32, #tpu.memory_space<vmem>>
        %dma_start3A_105 = arith.constant 0 : i32
        %dma_start3A_106 = tpu.memref_slice %arg2[%add3A_73, %dma_start3A_105] : memref<10240x128xf32, #tpu.memory_space<hbm>> -> memref<80x128xf32, #tpu.memory_space<hbm>>
        tpu.enqueue_dma source(%dma_start3A_106 : memref<80x128xf32, #tpu.memory_space<hbm>>) target(%dma_start3A_104 : memref<80x128xf32, #tpu.memory_space<vmem>>) target_semaphore(%run_scoped3A_96 : memref<!tpu.dma_semaphore, #tpu.memory_space<semaphore_mem>>)
        %dma_wait3A = arith.constant 0 : i32
        %dma_wait3A_107 = arith.constant 0 : i32
        %dma_wait3A_108 = tpu.memref_slice %arg9[%dma_wait3A, %dma_wait3A_107] : memref<125x128xf32, #tpu.memory_space<vmem>> -> memref<80x128xf32, #tpu.memory_space<vmem>>
        %dma_wait3A_109 = arith.constant 0 : i32
        %dma_wait3A_110 = tpu.memref_slice %arg2[%add3A_73, %dma_wait3A_109] : memref<10240x128xf32, #tpu.memory_space<hbm>> -> memref<80x128xf32, #tpu.memory_space<hbm>>
        %dma_wait3A_111 = arith.constant 0 : i32
        %dma_wait3A_112 = arith.constant 0 : i32
        %dma_wait3A_113 = tpu.memref_slice %arg9[%dma_wait3A_111, %dma_wait3A_112] : memref<125x128xf32, #tpu.memory_space<vmem>> -> memref<80x128xf32, #tpu.memory_space<vmem>>
        %dma_wait3A_114 = arith.constant 0 : i32
        %dma_wait3A_115 = tpu.memref_slice %arg2[%add3A_73, %dma_wait3A_114] : memref<10240x128xf32, #tpu.memory_space<hbm>> -> memref<80x128xf32, #tpu.memory_space<hbm>>
        tpu.wait_dma2 semaphore(%run_scoped3A_96 : memref<!tpu.dma_semaphore, #tpu.memory_space<semaphore_mem>>) src(%dma_wait3A_115 : memref<80x128xf32, #tpu.memory_space<hbm>>) dst(%dma_wait3A_113 : memref<80x128xf32, #tpu.memory_space<vmem>>)
        tpu.yield
      }) : () -> ()
      %add3A_74 = arith.constant 160 : i32
      %add3A_75 = arith.addi %mul3A_2, %add3A_74 : i32
      "tpu.region"() ({
        %run_scoped3A_96 = tpu.sem_alloc : memref<!tpu.dma_semaphore, #tpu.memory_space<semaphore_mem>>
        %dma_start3A_97 = arith.constant 0 : i32
        %dma_start3A_98 = arith.constant 0 : i32
        %dma_start3A_99 = tpu.memref_slice %arg9[%dma_start3A_97, %dma_start3A_98] : memref<125x128xf32, #tpu.memory_space<vmem>> -> memref<80x128xf32, #tpu.memory_space<vmem>>
        %dma_start3A_100 = arith.constant 0 : i32
        %dma_start3A_101 = tpu.memref_slice %arg6[%add3A_75, %dma_start3A_100] : memref<10240x128xf32, #tpu.memory_space<vmem_shared>> -> memref<80x128xf32, #tpu.memory_space<vmem_shared>>
        %dma_start3A_102 = arith.constant 0 : i32
        %dma_start3A_103 = tpu.memref_slice %arg6[%add3A_75, %dma_start3A_102] : memref<10240x128xf32, #tpu.memory_space<vmem_shared>> -> memref<80x128xf32, #tpu.memory_space<vmem_shared>>
        %dma_start3A_104 = arith.constant 0 : i32
        %dma_start3A_105 = arith.constant 0 : i32
        %dma_start3A_106 = tpu.memref_slice %arg9[%dma_start3A_104, %dma_start3A_105] : memref<125x128xf32, #tpu.memory_space<vmem>> -> memref<80x128xf32, #tpu.memory_space<vmem>>
        tpu.enqueue_dma source(%dma_start3A_106 : memref<80x128xf32, #tpu.memory_space<vmem>>) target(%dma_start3A_103 : memref<80x128xf32, #tpu.memory_space<vmem_shared>>) target_semaphore(%run_scoped3A_96 : memref<!tpu.dma_semaphore, #tpu.memory_space<semaphore_mem>>)
        %dma_wait3A = arith.constant 0 : i32
        %dma_wait3A_107 = arith.constant 0 : i32
        %dma_wait3A_108 = tpu.memref_slice %arg9[%dma_wait3A, %dma_wait3A_107] : memref<125x128xf32, #tpu.memory_space<vmem>> -> memref<80x128xf32, #tpu.memory_space<vmem>>
        %dma_wait3A_109 = arith.constant 0 : i32
        %dma_wait3A_110 = tpu.memref_slice %arg6[%add3A_75, %dma_wait3A_109] : memref<10240x128xf32, #tpu.memory_space<vmem_shared>> -> memref<80x128xf32, #tpu.memory_space<vmem_shared>>
        %dma_wait3A_111 = arith.constant 0 : i32
        %dma_wait3A_112 = tpu.memref_slice %arg6[%add3A_75, %dma_wait3A_111] : memref<10240x128xf32, #tpu.memory_space<vmem_shared>> -> memref<80x128xf32, #tpu.memory_space<vmem_shared>>
        %dma_wait3A_113 = arith.constant 0 : i32
        %dma_wait3A_114 = arith.constant 0 : i32
        %dma_wait3A_115 = tpu.memref_slice %arg9[%dma_wait3A_113, %dma_wait3A_114] : memref<125x128xf32, #tpu.memory_space<vmem>> -> memref<80x128xf32, #tpu.memory_space<vmem>>
        tpu.wait_dma2 semaphore(%run_scoped3A_96 : memref<!tpu.dma_semaphore, #tpu.memory_space<semaphore_mem>>) src(%dma_wait3A_115 : memref<80x128xf32, #tpu.memory_space<vmem>>) dst(%dma_wait3A_112 : memref<80x128xf32, #tpu.memory_space<vmem_shared>>)
        tpu.yield
      }) : () -> ()
      %add3A_76 = arith.constant 240 : i32
      %add3A_77 = arith.addi %mul3A_2, %add3A_76 : i32
      "tpu.region"() ({
        %run_scoped3A_96 = tpu.sem_alloc : memref<!tpu.dma_semaphore, #tpu.memory_space<semaphore_mem>>
        %dma_start3A_97 = arith.constant 0 : i32
        %dma_start3A_98 = arith.constant 0 : i32
        %dma_start3A_99 = tpu.memref_slice %arg9[%dma_start3A_97, %dma_start3A_98] : memref<125x128xf32, #tpu.memory_space<vmem>> -> memref<80x128xf32, #tpu.memory_space<vmem>>
        %dma_start3A_100 = arith.constant 0 : i32
        %dma_start3A_101 = tpu.memref_slice %arg2[%add3A_77, %dma_start3A_100] : memref<10240x128xf32, #tpu.memory_space<hbm>> -> memref<80x128xf32, #tpu.memory_space<hbm>>
        %dma_start3A_102 = arith.constant 0 : i32
        %dma_start3A_103 = arith.constant 0 : i32
        %dma_start3A_104 = tpu.memref_slice %arg9[%dma_start3A_102, %dma_start3A_103] : memref<125x128xf32, #tpu.memory_space<vmem>> -> memref<80x128xf32, #tpu.memory_space<vmem>>
        %dma_start3A_105 = arith.constant 0 : i32
        %dma_start3A_106 = tpu.memref_slice %arg2[%add3A_77, %dma_start3A_105] : memref<10240x128xf32, #tpu.memory_space<hbm>> -> memref<80x128xf32, #tpu.memory_space<hbm>>
        tpu.enqueue_dma source(%dma_start3A_106 : memref<80x128xf32, #tpu.memory_space<hbm>>) target(%dma_start3A_104 : memref<80x128xf32, #tpu.memory_space<vmem>>) target_semaphore(%run_scoped3A_96 : memref<!tpu.dma_semaphore, #tpu.memory_space<semaphore_mem>>)
        %dma_wait3A = arith.constant 0 : i32
        %dma_wait3A_107 = arith.constant 0 : i32
        %dma_wait3A_108 = tpu.memref_slice %arg9[%dma_wait3A, %dma_wait3A_107] : memref<125x128xf32, #tpu.memory_space<vmem>> -> memref<80x128xf32, #tpu.memory_space<vmem>>
        %dma_wait3A_109 = arith.constant 0 : i32
        %dma_wait3A_110 = tpu.memref_slice %arg2[%add3A_77, %dma_wait3A_109] : memref<10240x128xf32, #tpu.memory_space<hbm>> -> memref<80x128xf32, #tpu.memory_space<hbm>>
        %dma_wait3A_111 = arith.constant 0 : i32
        %dma_wait3A_112 = arith.constant 0 : i32
        %dma_wait3A_113 = tpu.memref_slice %arg9[%dma_wait3A_111, %dma_wait3A_112] : memref<125x128xf32, #tpu.memory_space<vmem>> -> memref<80x128xf32, #tpu.memory_space<vmem>>
        %dma_wait3A_114 = arith.constant 0 : i32
        %dma_wait3A_115 = tpu.memref_slice %arg2[%add3A_77, %dma_wait3A_114] : memref<10240x128xf32, #tpu.memory_space<hbm>> -> memref<80x128xf32, #tpu.memory_space<hbm>>
        tpu.wait_dma2 semaphore(%run_scoped3A_96 : memref<!tpu.dma_semaphore, #tpu.memory_space<semaphore_mem>>) src(%dma_wait3A_115 : memref<80x128xf32, #tpu.memory_space<hbm>>) dst(%dma_wait3A_113 : memref<80x128xf32, #tpu.memory_space<vmem>>)
        tpu.yield
      }) : () -> ()
      %add3A_78 = arith.constant 240 : i32
      %add3A_79 = arith.addi %mul3A_2, %add3A_78 : i32
      "tpu.region"() ({
        %run_scoped3A_96 = tpu.sem_alloc : memref<!tpu.dma_semaphore, #tpu.memory_space<semaphore_mem>>
        %dma_start3A_97 = arith.constant 0 : i32
        %dma_start3A_98 = arith.constant 0 : i32
        %dma_start3A_99 = tpu.memref_slice %arg9[%dma_start3A_97, %dma_start3A_98] : memref<125x128xf32, #tpu.memory_space<vmem>> -> memref<80x128xf32, #tpu.memory_space<vmem>>
        %dma_start3A_100 = arith.constant 0 : i32
        %dma_start3A_101 = tpu.memref_slice %arg6[%add3A_79, %dma_start3A_100] : memref<10240x128xf32, #tpu.memory_space<vmem_shared>> -> memref<80x128xf32, #tpu.memory_space<vmem_shared>>
        %dma_start3A_102 = arith.constant 0 : i32
        %dma_start3A_103 = tpu.memref_slice %arg6[%add3A_79, %dma_start3A_102] : memref<10240x128xf32, #tpu.memory_space<vmem_shared>> -> memref<80x128xf32, #tpu.memory_space<vmem_shared>>
        %dma_start3A_104 = arith.constant 0 : i32
        %dma_start3A_105 = arith.constant 0 : i32
        %dma_start3A_106 = tpu.memref_slice %arg9[%dma_start3A_104, %dma_start3A_105] : memref<125x128xf32, #tpu.memory_space<vmem>> -> memref<80x128xf32, #tpu.memory_space<vmem>>
        tpu.enqueue_dma source(%dma_start3A_106 : memref<80x128xf32, #tpu.memory_space<vmem>>) target(%dma_start3A_103 : memref<80x128xf32, #tpu.memory_space<vmem_shared>>) target_semaphore(%run_scoped3A_96 : memref<!tpu.dma_semaphore, #tpu.memory_space<semaphore_mem>>)
        %dma_wait3A = arith.constant 0 : i32
        %dma_wait3A_107 = arith.constant 0 : i32
        %dma_wait3A_108 = tpu.memref_slice %arg9[%dma_wait3A, %dma_wait3A_107] : memref<125x128xf32, #tpu.memory_space<vmem>> -> memref<80x128xf32, #tpu.memory_space<vmem>>
        %dma_wait3A_109 = arith.constant 0 : i32
        %dma_wait3A_110 = tpu.memref_slice %arg6[%add3A_79, %dma_wait3A_109] : memref<10240x128xf32, #tpu.memory_space<vmem_shared>> -> memref<80x128xf32, #tpu.memory_space<vmem_shared>>
        %dma_wait3A_111 = arith.constant 0 : i32
        %dma_wait3A_112 = tpu.memref_slice %arg6[%add3A_79, %dma_wait3A_111] : memref<10240x128xf32, #tpu.memory_space<vmem_shared>> -> memref<80x128xf32, #tpu.memory_space<vmem_shared>>
        %dma_wait3A_113 = arith.constant 0 : i32
        %dma_wait3A_114 = arith.constant 0 : i32
        %dma_wait3A_115 = tpu.memref_slice %arg9[%dma_wait3A_113, %dma_wait3A_114] : memref<125x128xf32, #tpu.memory_space<vmem>> -> memref<80x128xf32, #tpu.memory_space<vmem>>
        tpu.wait_dma2 semaphore(%run_scoped3A_96 : memref<!tpu.dma_semaphore, #tpu.memory_space<semaphore_mem>>) src(%dma_wait3A_115 : memref<80x128xf32, #tpu.memory_space<vmem>>) dst(%dma_wait3A_112 : memref<80x128xf32, #tpu.memory_space<vmem_shared>>)
        tpu.yield
      }) : () -> ()
      %add3A_80 = arith.constant 320 : i32
      %add3A_81 = arith.addi %mul3A_2, %add3A_80 : i32
      "tpu.region"() ({
        %run_scoped3A_96 = tpu.sem_alloc : memref<!tpu.dma_semaphore, #tpu.memory_space<semaphore_mem>>
        %dma_start3A_97 = arith.constant 0 : i32
        %dma_start3A_98 = arith.constant 0 : i32
        %dma_start3A_99 = tpu.memref_slice %arg9[%dma_start3A_97, %dma_start3A_98] : memref<125x128xf32, #tpu.memory_space<vmem>> -> memref<80x128xf32, #tpu.memory_space<vmem>>
        %dma_start3A_100 = arith.constant 0 : i32
        %dma_start3A_101 = tpu.memref_slice %arg2[%add3A_81, %dma_start3A_100] : memref<10240x128xf32, #tpu.memory_space<hbm>> -> memref<80x128xf32, #tpu.memory_space<hbm>>
        %dma_start3A_102 = arith.constant 0 : i32
        %dma_start3A_103 = arith.constant 0 : i32
        %dma_start3A_104 = tpu.memref_slice %arg9[%dma_start3A_102, %dma_start3A_103] : memref<125x128xf32, #tpu.memory_space<vmem>> -> memref<80x128xf32, #tpu.memory_space<vmem>>
        %dma_start3A_105 = arith.constant 0 : i32
        %dma_start3A_106 = tpu.memref_slice %arg2[%add3A_81, %dma_start3A_105] : memref<10240x128xf32, #tpu.memory_space<hbm>> -> memref<80x128xf32, #tpu.memory_space<hbm>>
        tpu.enqueue_dma source(%dma_start3A_106 : memref<80x128xf32, #tpu.memory_space<hbm>>) target(%dma_start3A_104 : memref<80x128xf32, #tpu.memory_space<vmem>>) target_semaphore(%run_scoped3A_96 : memref<!tpu.dma_semaphore, #tpu.memory_space<semaphore_mem>>)
        %dma_wait3A = arith.constant 0 : i32
        %dma_wait3A_107 = arith.constant 0 : i32
        %dma_wait3A_108 = tpu.memref_slice %arg9[%dma_wait3A, %dma_wait3A_107] : memref<125x128xf32, #tpu.memory_space<vmem>> -> memref<80x128xf32, #tpu.memory_space<vmem>>
        %dma_wait3A_109 = arith.constant 0 : i32
        %dma_wait3A_110 = tpu.memref_slice %arg2[%add3A_81, %dma_wait3A_109] : memref<10240x128xf32, #tpu.memory_space<hbm>> -> memref<80x128xf32, #tpu.memory_space<hbm>>
        %dma_wait3A_111 = arith.constant 0 : i32
        %dma_wait3A_112 = arith.constant 0 : i32
        %dma_wait3A_113 = tpu.memref_slice %arg9[%dma_wait3A_111, %dma_wait3A_112] : memref<125x128xf32, #tpu.memory_space<vmem>> -> memref<80x128xf32, #tpu.memory_space<vmem>>
        %dma_wait3A_114 = arith.constant 0 : i32
        %dma_wait3A_115 = tpu.memref_slice %arg2[%add3A_81, %dma_wait3A_114] : memref<10240x128xf32, #tpu.memory_space<hbm>> -> memref<80x128xf32, #tpu.memory_space<hbm>>
        tpu.wait_dma2 semaphore(%run_scoped3A_96 : memref<!tpu.dma_semaphore, #tpu.memory_space<semaphore_mem>>) src(%dma_wait3A_115 : memref<80x128xf32, #tpu.memory_space<hbm>>) dst(%dma_wait3A_113 : memref<80x128xf32, #tpu.memory_space<vmem>>)
        tpu.yield
      }) : () -> ()
      %add3A_82 = arith.constant 320 : i32
      %add3A_83 = arith.addi %mul3A_2, %add3A_82 : i32
      "tpu.region"() ({
        %run_scoped3A_96 = tpu.sem_alloc : memref<!tpu.dma_semaphore, #tpu.memory_space<semaphore_mem>>
        %dma_start3A_97 = arith.constant 0 : i32
        %dma_start3A_98 = arith.constant 0 : i32
        %dma_start3A_99 = tpu.memref_slice %arg9[%dma_start3A_97, %dma_start3A_98] : memref<125x128xf32, #tpu.memory_space<vmem>> -> memref<80x128xf32, #tpu.memory_space<vmem>>
        %dma_start3A_100 = arith.constant 0 : i32
        %dma_start3A_101 = tpu.memref_slice %arg6[%add3A_83, %dma_start3A_100] : memref<10240x128xf32, #tpu.memory_space<vmem_shared>> -> memref<80x128xf32, #tpu.memory_space<vmem_shared>>
        %dma_start3A_102 = arith.constant 0 : i32
        %dma_start3A_103 = tpu.memref_slice %arg6[%add3A_83, %dma_start3A_102] : memref<10240x128xf32, #tpu.memory_space<vmem_shared>> -> memref<80x128xf32, #tpu.memory_space<vmem_shared>>
        %dma_start3A_104 = arith.constant 0 : i32
        %dma_start3A_105 = arith.constant 0 : i32
        %dma_start3A_106 = tpu.memref_slice %arg9[%dma_start3A_104, %dma_start3A_105] : memref<125x128xf32, #tpu.memory_space<vmem>> -> memref<80x128xf32, #tpu.memory_space<vmem>>
        tpu.enqueue_dma source(%dma_start3A_106 : memref<80x128xf32, #tpu.memory_space<vmem>>) target(%dma_start3A_103 : memref<80x128xf32, #tpu.memory_space<vmem_shared>>) target_semaphore(%run_scoped3A_96 : memref<!tpu.dma_semaphore, #tpu.memory_space<semaphore_mem>>)
        %dma_wait3A = arith.constant 0 : i32
        %dma_wait3A_107 = arith.constant 0 : i32
        %dma_wait3A_108 = tpu.memref_slice %arg9[%dma_wait3A, %dma_wait3A_107] : memref<125x128xf32, #tpu.memory_space<vmem>> -> memref<80x128xf32, #tpu.memory_space<vmem>>
        %dma_wait3A_109 = arith.constant 0 : i32
        %dma_wait3A_110 = tpu.memref_slice %arg6[%add3A_83, %dma_wait3A_109] : memref<10240x128xf32, #tpu.memory_space<vmem_shared>> -> memref<80x128xf32, #tpu.memory_space<vmem_shared>>
        %dma_wait3A_111 = arith.constant 0 : i32
        %dma_wait3A_112 = tpu.memref_slice %arg6[%add3A_83, %dma_wait3A_111] : memref<10240x128xf32, #tpu.memory_space<vmem_shared>> -> memref<80x128xf32, #tpu.memory_space<vmem_shared>>
        %dma_wait3A_113 = arith.constant 0 : i32
        %dma_wait3A_114 = arith.constant 0 : i32
        %dma_wait3A_115 = tpu.memref_slice %arg9[%dma_wait3A_113, %dma_wait3A_114] : memref<125x128xf32, #tpu.memory_space<vmem>> -> memref<80x128xf32, #tpu.memory_space<vmem>>
        tpu.wait_dma2 semaphore(%run_scoped3A_96 : memref<!tpu.dma_semaphore, #tpu.memory_space<semaphore_mem>>) src(%dma_wait3A_115 : memref<80x128xf32, #tpu.memory_space<vmem>>) dst(%dma_wait3A_112 : memref<80x128xf32, #tpu.memory_space<vmem_shared>>)
        tpu.yield
      }) : () -> ()
      %add3A_84 = arith.constant 400 : i32
      %add3A_85 = arith.addi %mul3A_2, %add3A_84 : i32
      "tpu.region"() ({
        %run_scoped3A_96 = tpu.sem_alloc : memref<!tpu.dma_semaphore, #tpu.memory_space<semaphore_mem>>
        %dma_start3A_97 = arith.constant 0 : i32
        %dma_start3A_98 = arith.constant 0 : i32
        %dma_start3A_99 = tpu.memref_slice %arg9[%dma_start3A_97, %dma_start3A_98] : memref<125x128xf32, #tpu.memory_space<vmem>> -> memref<80x128xf32, #tpu.memory_space<vmem>>
        %dma_start3A_100 = arith.constant 0 : i32
        %dma_start3A_101 = tpu.memref_slice %arg2[%add3A_85, %dma_start3A_100] : memref<10240x128xf32, #tpu.memory_space<hbm>> -> memref<80x128xf32, #tpu.memory_space<hbm>>
        %dma_start3A_102 = arith.constant 0 : i32
        %dma_start3A_103 = arith.constant 0 : i32
        %dma_start3A_104 = tpu.memref_slice %arg9[%dma_start3A_102, %dma_start3A_103] : memref<125x128xf32, #tpu.memory_space<vmem>> -> memref<80x128xf32, #tpu.memory_space<vmem>>
        %dma_start3A_105 = arith.constant 0 : i32
        %dma_start3A_106 = tpu.memref_slice %arg2[%add3A_85, %dma_start3A_105] : memref<10240x128xf32, #tpu.memory_space<hbm>> -> memref<80x128xf32, #tpu.memory_space<hbm>>
        tpu.enqueue_dma source(%dma_start3A_106 : memref<80x128xf32, #tpu.memory_space<hbm>>) target(%dma_start3A_104 : memref<80x128xf32, #tpu.memory_space<vmem>>) target_semaphore(%run_scoped3A_96 : memref<!tpu.dma_semaphore, #tpu.memory_space<semaphore_mem>>)
        %dma_wait3A = arith.constant 0 : i32
        %dma_wait3A_107 = arith.constant 0 : i32
        %dma_wait3A_108 = tpu.memref_slice %arg9[%dma_wait3A, %dma_wait3A_107] : memref<125x128xf32, #tpu.memory_space<vmem>> -> memref<80x128xf32, #tpu.memory_space<vmem>>
        %dma_wait3A_109 = arith.constant 0 : i32
        %dma_wait3A_110 = tpu.memref_slice %arg2[%add3A_85, %dma_wait3A_109] : memref<10240x128xf32, #tpu.memory_space<hbm>> -> memref<80x128xf32, #tpu.memory_space<hbm>>
        %dma_wait3A_111 = arith.constant 0 : i32
        %dma_wait3A_112 = arith.constant 0 : i32
        %dma_wait3A_113 = tpu.memref_slice %arg9[%dma_wait3A_111, %dma_wait3A_112] : memref<125x128xf32, #tpu.memory_space<vmem>> -> memref<80x128xf32, #tpu.memory_space<vmem>>
        %dma_wait3A_114 = arith.constant 0 : i32
        %dma_wait3A_115 = tpu.memref_slice %arg2[%add3A_85, %dma_wait3A_114] : memref<10240x128xf32, #tpu.memory_space<hbm>> -> memref<80x128xf32, #tpu.memory_space<hbm>>
        tpu.wait_dma2 semaphore(%run_scoped3A_96 : memref<!tpu.dma_semaphore, #tpu.memory_space<semaphore_mem>>) src(%dma_wait3A_115 : memref<80x128xf32, #tpu.memory_space<hbm>>) dst(%dma_wait3A_113 : memref<80x128xf32, #tpu.memory_space<vmem>>)
        tpu.yield
      }) : () -> ()
      %add3A_86 = arith.constant 400 : i32
      %add3A_87 = arith.addi %mul3A_2, %add3A_86 : i32
      "tpu.region"() ({
        %run_scoped3A_96 = tpu.sem_alloc : memref<!tpu.dma_semaphore, #tpu.memory_space<semaphore_mem>>
        %dma_start3A_97 = arith.constant 0 : i32
        %dma_start3A_98 = arith.constant 0 : i32
        %dma_start3A_99 = tpu.memref_slice %arg9[%dma_start3A_97, %dma_start3A_98] : memref<125x128xf32, #tpu.memory_space<vmem>> -> memref<80x128xf32, #tpu.memory_space<vmem>>
        %dma_start3A_100 = arith.constant 0 : i32
        %dma_start3A_101 = tpu.memref_slice %arg6[%add3A_87, %dma_start3A_100] : memref<10240x128xf32, #tpu.memory_space<vmem_shared>> -> memref<80x128xf32, #tpu.memory_space<vmem_shared>>
        %dma_start3A_102 = arith.constant 0 : i32
        %dma_start3A_103 = tpu.memref_slice %arg6[%add3A_87, %dma_start3A_102] : memref<10240x128xf32, #tpu.memory_space<vmem_shared>> -> memref<80x128xf32, #tpu.memory_space<vmem_shared>>
        %dma_start3A_104 = arith.constant 0 : i32
        %dma_start3A_105 = arith.constant 0 : i32
        %dma_start3A_106 = tpu.memref_slice %arg9[%dma_start3A_104, %dma_start3A_105] : memref<125x128xf32, #tpu.memory_space<vmem>> -> memref<80x128xf32, #tpu.memory_space<vmem>>
        tpu.enqueue_dma source(%dma_start3A_106 : memref<80x128xf32, #tpu.memory_space<vmem>>) target(%dma_start3A_103 : memref<80x128xf32, #tpu.memory_space<vmem_shared>>) target_semaphore(%run_scoped3A_96 : memref<!tpu.dma_semaphore, #tpu.memory_space<semaphore_mem>>)
        %dma_wait3A = arith.constant 0 : i32
        %dma_wait3A_107 = arith.constant 0 : i32
        %dma_wait3A_108 = tpu.memref_slice %arg9[%dma_wait3A, %dma_wait3A_107] : memref<125x128xf32, #tpu.memory_space<vmem>> -> memref<80x128xf32, #tpu.memory_space<vmem>>
        %dma_wait3A_109 = arith.constant 0 : i32
        %dma_wait3A_110 = tpu.memref_slice %arg6[%add3A_87, %dma_wait3A_109] : memref<10240x128xf32, #tpu.memory_space<vmem_shared>> -> memref<80x128xf32, #tpu.memory_space<vmem_shared>>
        %dma_wait3A_111 = arith.constant 0 : i32
        %dma_wait3A_112 = tpu.memref_slice %arg6[%add3A_87, %dma_wait3A_111] : memref<10240x128xf32, #tpu.memory_space<vmem_shared>> -> memref<80x128xf32, #tpu.memory_space<vmem_shared>>
        %dma_wait3A_113 = arith.constant 0 : i32
        %dma_wait3A_114 = arith.constant 0 : i32
        %dma_wait3A_115 = tpu.memref_slice %arg9[%dma_wait3A_113, %dma_wait3A_114] : memref<125x128xf32, #tpu.memory_space<vmem>> -> memref<80x128xf32, #tpu.memory_space<vmem>>
        tpu.wait_dma2 semaphore(%run_scoped3A_96 : memref<!tpu.dma_semaphore, #tpu.memory_space<semaphore_mem>>) src(%dma_wait3A_115 : memref<80x128xf32, #tpu.memory_space<vmem>>) dst(%dma_wait3A_112 : memref<80x128xf32, #tpu.memory_space<vmem_shared>>)
        tpu.yield
      }) : () -> ()
      %add3A_88 = arith.constant 480 : i32
      %add3A_89 = arith.addi %mul3A_2, %add3A_88 : i32
      "tpu.region"() ({
        %run_scoped3A_96 = tpu.sem_alloc : memref<!tpu.dma_semaphore, #tpu.memory_space<semaphore_mem>>
        %dma_start3A_97 = arith.constant 0 : i32
        %dma_start3A_98 = arith.constant 0 : i32
        %dma_start3A_99 = tpu.memref_slice %arg9[%dma_start3A_97, %dma_start3A_98] : memref<125x128xf32, #tpu.memory_space<vmem>> -> memref<80x128xf32, #tpu.memory_space<vmem>>
        %dma_start3A_100 = arith.constant 0 : i32
        %dma_start3A_101 = tpu.memref_slice %arg2[%add3A_89, %dma_start3A_100] : memref<10240x128xf32, #tpu.memory_space<hbm>> -> memref<80x128xf32, #tpu.memory_space<hbm>>
        %dma_start3A_102 = arith.constant 0 : i32
        %dma_start3A_103 = arith.constant 0 : i32
        %dma_start3A_104 = tpu.memref_slice %arg9[%dma_start3A_102, %dma_start3A_103] : memref<125x128xf32, #tpu.memory_space<vmem>> -> memref<80x128xf32, #tpu.memory_space<vmem>>
        %dma_start3A_105 = arith.constant 0 : i32
        %dma_start3A_106 = tpu.memref_slice %arg2[%add3A_89, %dma_start3A_105] : memref<10240x128xf32, #tpu.memory_space<hbm>> -> memref<80x128xf32, #tpu.memory_space<hbm>>
        tpu.enqueue_dma source(%dma_start3A_106 : memref<80x128xf32, #tpu.memory_space<hbm>>) target(%dma_start3A_104 : memref<80x128xf32, #tpu.memory_space<vmem>>) target_semaphore(%run_scoped3A_96 : memref<!tpu.dma_semaphore, #tpu.memory_space<semaphore_mem>>)
        %dma_wait3A = arith.constant 0 : i32
        %dma_wait3A_107 = arith.constant 0 : i32
        %dma_wait3A_108 = tpu.memref_slice %arg9[%dma_wait3A, %dma_wait3A_107] : memref<125x128xf32, #tpu.memory_space<vmem>> -> memref<80x128xf32, #tpu.memory_space<vmem>>
        %dma_wait3A_109 = arith.constant 0 : i32
        %dma_wait3A_110 = tpu.memref_slice %arg2[%add3A_89, %dma_wait3A_109] : memref<10240x128xf32, #tpu.memory_space<hbm>> -> memref<80x128xf32, #tpu.memory_space<hbm>>
        %dma_wait3A_111 = arith.constant 0 : i32
        %dma_wait3A_112 = arith.constant 0 : i32
        %dma_wait3A_113 = tpu.memref_slice %arg9[%dma_wait3A_111, %dma_wait3A_112] : memref<125x128xf32, #tpu.memory_space<vmem>> -> memref<80x128xf32, #tpu.memory_space<vmem>>
        %dma_wait3A_114 = arith.constant 0 : i32
        %dma_wait3A_115 = tpu.memref_slice %arg2[%add3A_89, %dma_wait3A_114] : memref<10240x128xf32, #tpu.memory_space<hbm>> -> memref<80x128xf32, #tpu.memory_space<hbm>>
        tpu.wait_dma2 semaphore(%run_scoped3A_96 : memref<!tpu.dma_semaphore, #tpu.memory_space<semaphore_mem>>) src(%dma_wait3A_115 : memref<80x128xf32, #tpu.memory_space<hbm>>) dst(%dma_wait3A_113 : memref<80x128xf32, #tpu.memory_space<vmem>>)
        tpu.yield
      }) : () -> ()
      %add3A_90 = arith.constant 480 : i32
      %add3A_91 = arith.addi %mul3A_2, %add3A_90 : i32
      "tpu.region"() ({
        %run_scoped3A_96 = tpu.sem_alloc : memref<!tpu.dma_semaphore, #tpu.memory_space<semaphore_mem>>
        %dma_start3A_97 = arith.constant 0 : i32
        %dma_start3A_98 = arith.constant 0 : i32
        %dma_start3A_99 = tpu.memref_slice %arg9[%dma_start3A_97, %dma_start3A_98] : memref<125x128xf32, #tpu.memory_space<vmem>> -> memref<80x128xf32, #tpu.memory_space<vmem>>
        %dma_start3A_100 = arith.constant 0 : i32
        %dma_start3A_101 = tpu.memref_slice %arg6[%add3A_91, %dma_start3A_100] : memref<10240x128xf32, #tpu.memory_space<vmem_shared>> -> memref<80x128xf32, #tpu.memory_space<vmem_shared>>
        %dma_start3A_102 = arith.constant 0 : i32
        %dma_start3A_103 = tpu.memref_slice %arg6[%add3A_91, %dma_start3A_102] : memref<10240x128xf32, #tpu.memory_space<vmem_shared>> -> memref<80x128xf32, #tpu.memory_space<vmem_shared>>
        %dma_start3A_104 = arith.constant 0 : i32
        %dma_start3A_105 = arith.constant 0 : i32
        %dma_start3A_106 = tpu.memref_slice %arg9[%dma_start3A_104, %dma_start3A_105] : memref<125x128xf32, #tpu.memory_space<vmem>> -> memref<80x128xf32, #tpu.memory_space<vmem>>
        tpu.enqueue_dma source(%dma_start3A_106 : memref<80x128xf32, #tpu.memory_space<vmem>>) target(%dma_start3A_103 : memref<80x128xf32, #tpu.memory_space<vmem_shared>>) target_semaphore(%run_scoped3A_96 : memref<!tpu.dma_semaphore, #tpu.memory_space<semaphore_mem>>)
        %dma_wait3A = arith.constant 0 : i32
        %dma_wait3A_107 = arith.constant 0 : i32
        %dma_wait3A_108 = tpu.memref_slice %arg9[%dma_wait3A, %dma_wait3A_107] : memref<125x128xf32, #tpu.memory_space<vmem>> -> memref<80x128xf32, #tpu.memory_space<vmem>>
        %dma_wait3A_109 = arith.constant 0 : i32
        %dma_wait3A_110 = tpu.memref_slice %arg6[%add3A_91, %dma_wait3A_109] : memref<10240x128xf32, #tpu.memory_space<vmem_shared>> -> memref<80x128xf32, #tpu.memory_space<vmem_shared>>
        %dma_wait3A_111 = arith.constant 0 : i32
        %dma_wait3A_112 = tpu.memref_slice %arg6[%add3A_91, %dma_wait3A_111] : memref<10240x128xf32, #tpu.memory_space<vmem_shared>> -> memref<80x128xf32, #tpu.memory_space<vmem_shared>>
        %dma_wait3A_113 = arith.constant 0 : i32
        %dma_wait3A_114 = arith.constant 0 : i32
        %dma_wait3A_115 = tpu.memref_slice %arg9[%dma_wait3A_113, %dma_wait3A_114] : memref<125x128xf32, #tpu.memory_space<vmem>> -> memref<80x128xf32, #tpu.memory_space<vmem>>
        tpu.wait_dma2 semaphore(%run_scoped3A_96 : memref<!tpu.dma_semaphore, #tpu.memory_space<semaphore_mem>>) src(%dma_wait3A_115 : memref<80x128xf32, #tpu.memory_space<vmem>>) dst(%dma_wait3A_112 : memref<80x128xf32, #tpu.memory_space<vmem_shared>>)
        tpu.yield
      }) : () -> ()
      %add3A_92 = arith.constant 560 : i32
      %add3A_93 = arith.addi %mul3A_2, %add3A_92 : i32
      "tpu.region"() ({
        %run_scoped3A_96 = tpu.sem_alloc : memref<!tpu.dma_semaphore, #tpu.memory_space<semaphore_mem>>
        %dma_start3A_97 = arith.constant 0 : i32
        %dma_start3A_98 = arith.constant 0 : i32
        %dma_start3A_99 = tpu.memref_slice %arg9[%dma_start3A_97, %dma_start3A_98] : memref<125x128xf32, #tpu.memory_space<vmem>> -> memref<80x128xf32, #tpu.memory_space<vmem>>
        %dma_start3A_100 = arith.constant 0 : i32
        %dma_start3A_101 = tpu.memref_slice %arg2[%add3A_93, %dma_start3A_100] : memref<10240x128xf32, #tpu.memory_space<hbm>> -> memref<80x128xf32, #tpu.memory_space<hbm>>
        %dma_start3A_102 = arith.constant 0 : i32
        %dma_start3A_103 = arith.constant 0 : i32
        %dma_start3A_104 = tpu.memref_slice %arg9[%dma_start3A_102, %dma_start3A_103] : memref<125x128xf32, #tpu.memory_space<vmem>> -> memref<80x128xf32, #tpu.memory_space<vmem>>
        %dma_start3A_105 = arith.constant 0 : i32
        %dma_start3A_106 = tpu.memref_slice %arg2[%add3A_93, %dma_start3A_105] : memref<10240x128xf32, #tpu.memory_space<hbm>> -> memref<80x128xf32, #tpu.memory_space<hbm>>
        tpu.enqueue_dma source(%dma_start3A_106 : memref<80x128xf32, #tpu.memory_space<hbm>>) target(%dma_start3A_104 : memref<80x128xf32, #tpu.memory_space<vmem>>) target_semaphore(%run_scoped3A_96 : memref<!tpu.dma_semaphore, #tpu.memory_space<semaphore_mem>>)
        %dma_wait3A = arith.constant 0 : i32
        %dma_wait3A_107 = arith.constant 0 : i32
        %dma_wait3A_108 = tpu.memref_slice %arg9[%dma_wait3A, %dma_wait3A_107] : memref<125x128xf32, #tpu.memory_space<vmem>> -> memref<80x128xf32, #tpu.memory_space<vmem>>
        %dma_wait3A_109 = arith.constant 0 : i32
        %dma_wait3A_110 = tpu.memref_slice %arg2[%add3A_93, %dma_wait3A_109] : memref<10240x128xf32, #tpu.memory_space<hbm>> -> memref<80x128xf32, #tpu.memory_space<hbm>>
        %dma_wait3A_111 = arith.constant 0 : i32
        %dma_wait3A_112 = arith.constant 0 : i32
        %dma_wait3A_113 = tpu.memref_slice %arg9[%dma_wait3A_111, %dma_wait3A_112] : memref<125x128xf32, #tpu.memory_space<vmem>> -> memref<80x128xf32, #tpu.memory_space<vmem>>
        %dma_wait3A_114 = arith.constant 0 : i32
        %dma_wait3A_115 = tpu.memref_slice %arg2[%add3A_93, %dma_wait3A_114] : memref<10240x128xf32, #tpu.memory_space<hbm>> -> memref<80x128xf32, #tpu.memory_space<hbm>>
        tpu.wait_dma2 semaphore(%run_scoped3A_96 : memref<!tpu.dma_semaphore, #tpu.memory_space<semaphore_mem>>) src(%dma_wait3A_115 : memref<80x128xf32, #tpu.memory_space<hbm>>) dst(%dma_wait3A_113 : memref<80x128xf32, #tpu.memory_space<vmem>>)
        tpu.yield
      }) : () -> ()
      %add3A_94 = arith.constant 560 : i32
      %add3A_95 = arith.addi %mul3A_2, %add3A_94 : i32
      "tpu.region"() ({
        %run_scoped3A_96 = tpu.sem_alloc : memref<!tpu.dma_semaphore, #tpu.memory_space<semaphore_mem>>
        %dma_start3A_97 = arith.constant 0 : i32
        %dma_start3A_98 = arith.constant 0 : i32
        %dma_start3A_99 = tpu.memref_slice %arg9[%dma_start3A_97, %dma_start3A_98] : memref<125x128xf32, #tpu.memory_space<vmem>> -> memref<80x128xf32, #tpu.memory_space<vmem>>
        %dma_start3A_100 = arith.constant 0 : i32
        %dma_start3A_101 = tpu.memref_slice %arg6[%add3A_95, %dma_start3A_100] : memref<10240x128xf32, #tpu.memory_space<vmem_shared>> -> memref<80x128xf32, #tpu.memory_space<vmem_shared>>
        %dma_start3A_102 = arith.constant 0 : i32
        %dma_start3A_103 = tpu.memref_slice %arg6[%add3A_95, %dma_start3A_102] : memref<10240x128xf32, #tpu.memory_space<vmem_shared>> -> memref<80x128xf32, #tpu.memory_space<vmem_shared>>
        %dma_start3A_104 = arith.constant 0 : i32
        %dma_start3A_105 = arith.constant 0 : i32
        %dma_start3A_106 = tpu.memref_slice %arg9[%dma_start3A_104, %dma_start3A_105] : memref<125x128xf32, #tpu.memory_space<vmem>> -> memref<80x128xf32, #tpu.memory_space<vmem>>
        tpu.enqueue_dma source(%dma_start3A_106 : memref<80x128xf32, #tpu.memory_space<vmem>>) target(%dma_start3A_103 : memref<80x128xf32, #tpu.memory_space<vmem_shared>>) target_semaphore(%run_scoped3A_96 : memref<!tpu.dma_semaphore, #tpu.memory_space<semaphore_mem>>)
        %dma_wait3A = arith.constant 0 : i32
        %dma_wait3A_107 = arith.constant 0 : i32
        %dma_wait3A_108 = tpu.memref_slice %arg9[%dma_wait3A, %dma_wait3A_107] : memref<125x128xf32, #tpu.memory_space<vmem>> -> memref<80x128xf32, #tpu.memory_space<vmem>>
        %dma_wait3A_109 = arith.constant 0 : i32
        %dma_wait3A_110 = tpu.memref_slice %arg6[%add3A_95, %dma_wait3A_109] : memref<10240x128xf32, #tpu.memory_space<vmem_shared>> -> memref<80x128xf32, #tpu.memory_space<vmem_shared>>
        %dma_wait3A_111 = arith.constant 0 : i32
        %dma_wait3A_112 = tpu.memref_slice %arg6[%add3A_95, %dma_wait3A_111] : memref<10240x128xf32, #tpu.memory_space<vmem_shared>> -> memref<80x128xf32, #tpu.memory_space<vmem_shared>>
        %dma_wait3A_113 = arith.constant 0 : i32
        %dma_wait3A_114 = arith.constant 0 : i32
        %dma_wait3A_115 = tpu.memref_slice %arg9[%dma_wait3A_113, %dma_wait3A_114] : memref<125x128xf32, #tpu.memory_space<vmem>> -> memref<80x128xf32, #tpu.memory_space<vmem>>
        tpu.wait_dma2 semaphore(%run_scoped3A_96 : memref<!tpu.dma_semaphore, #tpu.memory_space<semaphore_mem>>) src(%dma_wait3A_115 : memref<80x128xf32, #tpu.memory_space<vmem>>) dst(%dma_wait3A_112 : memref<80x128xf32, #tpu.memory_space<vmem_shared>>)
        tpu.yield
      }) : () -> ()
    } else {
    }
    %not3A = arith.constant true
    %not3A_6 = arith.xori %xor3A, %not3A : i1
    %convert_element_type3A_7 = arith.extui %not3A_6 : i1 to i32
    %cond3A_8 = arith.constant 0 : i32
    %cond3A_9 = arith.cmpi ne, %convert_element_type3A_7, %cond3A_8 : i32
    scf.if %cond3A_9 {
      %broadcast_in_dim3A = arith.constant 0.000000e+00 : f32
      %broadcast_in_dim3A_64 = vector.broadcast %broadcast_in_dim3A : f32 to vector<16xf32>
      %scan3A_65 = arith.constant 0 : i32
      %scan3A_66 = arith.constant 0 : i32
      %scan3A_67 = arith.constant 80 : i32
      %scan3A_68 = arith.addi %scan3A_66, %scan3A_67 : i32
      %scan3A_69 = arith.constant 1 : i32
      scf.for %scan3A_87 = %scan3A_66 to %scan3A_68 step %scan3A_69  : i32 {
        %scan3A_88 = arith.constant 0 : i32
        %scan3A_89 = arith.constant 8 : i32
        %scan3A_90 = arith.addi %scan3A_88, %scan3A_89 : i32
        %scan3A_91 = arith.constant 1 : i32
        scf.for %scan3A_93 = %scan3A_88 to %scan3A_90 step %scan3A_91  : i32 {
          %mul3A_94 = arith.constant 16 : i32
          %mul3A_95 = arith.muli %scan3A_93, %mul3A_94 : i32
          %swap3A = arith.index_cast %scan3A_87 : i32 to index
          %swap3A_96 = arith.index_cast %mul3A_95 : i32 to index
          %swap3A_97 = tpu.vector_load %arg9[%swap3A, %swap3A_96] {strides = array<i32>} : memref<125x128xf32, #tpu.memory_space<vmem>>, vector<16xf32>,
          tpu.vector_store %arg9[%swap3A, %swap3A_96], %broadcast_in_dim3A_64 {strides = array<i32>} : memref<125x128xf32, #tpu.memory_space<vmem>>, vector<16xf32>,
        }
        %scan3A_92 = arith.constant 8 : i32
      }
      %scan3A_70 = arith.constant 80 : i32
      %add3A_71 = arith.constant 0 : i32
      %add3A_72 = arith.addi %mul3A_2, %add3A_71 : i32
      "tpu.region"() ({
        %run_scoped3A_87 = tpu.sem_alloc : memref<!tpu.dma_semaphore, #tpu.memory_space<semaphore_mem>>
        %dma_start3A_88 = arith.constant 0 : i32
        %dma_start3A_89 = arith.constant 0 : i32
        %dma_start3A_90 = tpu.memref_slice %arg9[%dma_start3A_88, %dma_start3A_89] : memref<125x128xf32, #tpu.memory_space<vmem>> -> memref<80x128xf32, #tpu.memory_space<vmem>>
        %dma_start3A_91 = arith.constant 0 : i32
        %dma_start3A_92 = tpu.memref_slice %arg6[%add3A_72, %dma_start3A_91] : memref<10240x128xf32, #tpu.memory_space<vmem_shared>> -> memref<80x128xf32, #tpu.memory_space<vmem_shared>>
        %dma_start3A_93 = arith.constant 0 : i32
        %dma_start3A_94 = tpu.memref_slice %arg6[%add3A_72, %dma_start3A_93] : memref<10240x128xf32, #tpu.memory_space<vmem_shared>> -> memref<80x128xf32, #tpu.memory_space<vmem_shared>>
        %dma_start3A_95 = arith.constant 0 : i32
        %dma_start3A_96 = arith.constant 0 : i32
        %dma_start3A_97 = tpu.memref_slice %arg9[%dma_start3A_95, %dma_start3A_96] : memref<125x128xf32, #tpu.memory_space<vmem>> -> memref<80x128xf32, #tpu.memory_space<vmem>>
        tpu.enqueue_dma source(%dma_start3A_97 : memref<80x128xf32, #tpu.memory_space<vmem>>) target(%dma_start3A_94 : memref<80x128xf32, #tpu.memory_space<vmem_shared>>) target_semaphore(%run_scoped3A_87 : memref<!tpu.dma_semaphore, #tpu.memory_space<semaphore_mem>>)
        %dma_wait3A = arith.constant 0 : i32
        %dma_wait3A_98 = arith.constant 0 : i32
        %dma_wait3A_99 = tpu.memref_slice %arg9[%dma_wait3A, %dma_wait3A_98] : memref<125x128xf32, #tpu.memory_space<vmem>> -> memref<80x128xf32, #tpu.memory_space<vmem>>
        %dma_wait3A_100 = arith.constant 0 : i32
        %dma_wait3A_101 = tpu.memref_slice %arg6[%add3A_72, %dma_wait3A_100] : memref<10240x128xf32, #tpu.memory_space<vmem_shared>> -> memref<80x128xf32, #tpu.memory_space<vmem_shared>>
        %dma_wait3A_102 = arith.constant 0 : i32
        %dma_wait3A_103 = tpu.memref_slice %arg6[%add3A_72, %dma_wait3A_102] : memref<10240x128xf32, #tpu.memory_space<vmem_shared>> -> memref<80x128xf32, #tpu.memory_space<vmem_shared>>
        %dma_wait3A_104 = arith.constant 0 : i32
        %dma_wait3A_105 = arith.constant 0 : i32
        %dma_wait3A_106 = tpu.memref_slice %arg9[%dma_wait3A_104, %dma_wait3A_105] : memref<125x128xf32, #tpu.memory_space<vmem>> -> memref<80x128xf32, #tpu.memory_space<vmem>>
        tpu.wait_dma2 semaphore(%run_scoped3A_87 : memref<!tpu.dma_semaphore, #tpu.memory_space<semaphore_mem>>) src(%dma_wait3A_106 : memref<80x128xf32, #tpu.memory_space<vmem>>) dst(%dma_wait3A_103 : memref<80x128xf32, #tpu.memory_space<vmem_shared>>)
        tpu.yield
      }) : () -> ()
      %add3A_73 = arith.constant 80 : i32
      %add3A_74 = arith.addi %mul3A_2, %add3A_73 : i32
      "tpu.region"() ({
        %run_scoped3A_87 = tpu.sem_alloc : memref<!tpu.dma_semaphore, #tpu.memory_space<semaphore_mem>>
        %dma_start3A_88 = arith.constant 0 : i32
        %dma_start3A_89 = arith.constant 0 : i32
        %dma_start3A_90 = tpu.memref_slice %arg9[%dma_start3A_88, %dma_start3A_89] : memref<125x128xf32, #tpu.memory_space<vmem>> -> memref<80x128xf32, #tpu.memory_space<vmem>>
        %dma_start3A_91 = arith.constant 0 : i32
        %dma_start3A_92 = tpu.memref_slice %arg6[%add3A_74, %dma_start3A_91] : memref<10240x128xf32, #tpu.memory_space<vmem_shared>> -> memref<80x128xf32, #tpu.memory_space<vmem_shared>>
        %dma_start3A_93 = arith.constant 0 : i32
        %dma_start3A_94 = tpu.memref_slice %arg6[%add3A_74, %dma_start3A_93] : memref<10240x128xf32, #tpu.memory_space<vmem_shared>> -> memref<80x128xf32, #tpu.memory_space<vmem_shared>>
        %dma_start3A_95 = arith.constant 0 : i32
        %dma_start3A_96 = arith.constant 0 : i32
        %dma_start3A_97 = tpu.memref_slice %arg9[%dma_start3A_95, %dma_start3A_96] : memref<125x128xf32, #tpu.memory_space<vmem>> -> memref<80x128xf32, #tpu.memory_space<vmem>>
        tpu.enqueue_dma source(%dma_start3A_97 : memref<80x128xf32, #tpu.memory_space<vmem>>) target(%dma_start3A_94 : memref<80x128xf32, #tpu.memory_space<vmem_shared>>) target_semaphore(%run_scoped3A_87 : memref<!tpu.dma_semaphore, #tpu.memory_space<semaphore_mem>>)
        %dma_wait3A = arith.constant 0 : i32
        %dma_wait3A_98 = arith.constant 0 : i32
        %dma_wait3A_99 = tpu.memref_slice %arg9[%dma_wait3A, %dma_wait3A_98] : memref<125x128xf32, #tpu.memory_space<vmem>> -> memref<80x128xf32, #tpu.memory_space<vmem>>
        %dma_wait3A_100 = arith.constant 0 : i32
        %dma_wait3A_101 = tpu.memref_slice %arg6[%add3A_74, %dma_wait3A_100] : memref<10240x128xf32, #tpu.memory_space<vmem_shared>> -> memref<80x128xf32, #tpu.memory_space<vmem_shared>>
        %dma_wait3A_102 = arith.constant 0 : i32
        %dma_wait3A_103 = tpu.memref_slice %arg6[%add3A_74, %dma_wait3A_102] : memref<10240x128xf32, #tpu.memory_space<vmem_shared>> -> memref<80x128xf32, #tpu.memory_space<vmem_shared>>
        %dma_wait3A_104 = arith.constant 0 : i32
        %dma_wait3A_105 = arith.constant 0 : i32
        %dma_wait3A_106 = tpu.memref_slice %arg9[%dma_wait3A_104, %dma_wait3A_105] : memref<125x128xf32, #tpu.memory_space<vmem>> -> memref<80x128xf32, #tpu.memory_space<vmem>>
        tpu.wait_dma2 semaphore(%run_scoped3A_87 : memref<!tpu.dma_semaphore, #tpu.memory_space<semaphore_mem>>) src(%dma_wait3A_106 : memref<80x128xf32, #tpu.memory_space<vmem>>) dst(%dma_wait3A_103 : memref<80x128xf32, #tpu.memory_space<vmem_shared>>)
        tpu.yield
      }) : () -> ()
      %add3A_75 = arith.constant 160 : i32
      %add3A_76 = arith.addi %mul3A_2, %add3A_75 : i32
      "tpu.region"() ({
        %run_scoped3A_87 = tpu.sem_alloc : memref<!tpu.dma_semaphore, #tpu.memory_space<semaphore_mem>>
        %dma_start3A_88 = arith.constant 0 : i32
        %dma_start3A_89 = arith.constant 0 : i32
        %dma_start3A_90 = tpu.memref_slice %arg9[%dma_start3A_88, %dma_start3A_89] : memref<125x128xf32, #tpu.memory_space<vmem>> -> memref<80x128xf32, #tpu.memory_space<vmem>>
        %dma_start3A_91 = arith.constant 0 : i32
        %dma_start3A_92 = tpu.memref_slice %arg6[%add3A_76, %dma_start3A_91] : memref<10240x128xf32, #tpu.memory_space<vmem_shared>> -> memref<80x128xf32, #tpu.memory_space<vmem_shared>>
        %dma_start3A_93 = arith.constant 0 : i32
        %dma_start3A_94 = tpu.memref_slice %arg6[%add3A_76, %dma_start3A_93] : memref<10240x128xf32, #tpu.memory_space<vmem_shared>> -> memref<80x128xf32, #tpu.memory_space<vmem_shared>>
        %dma_start3A_95 = arith.constant 0 : i32
        %dma_start3A_96 = arith.constant 0 : i32
        %dma_start3A_97 = tpu.memref_slice %arg9[%dma_start3A_95, %dma_start3A_96] : memref<125x128xf32, #tpu.memory_space<vmem>> -> memref<80x128xf32, #tpu.memory_space<vmem>>
        tpu.enqueue_dma source(%dma_start3A_97 : memref<80x128xf32, #tpu.memory_space<vmem>>) target(%dma_start3A_94 : memref<80x128xf32, #tpu.memory_space<vmem_shared>>) target_semaphore(%run_scoped3A_87 : memref<!tpu.dma_semaphore, #tpu.memory_space<semaphore_mem>>)
        %dma_wait3A = arith.constant 0 : i32
        %dma_wait3A_98 = arith.constant 0 : i32
        %dma_wait3A_99 = tpu.memref_slice %arg9[%dma_wait3A, %dma_wait3A_98] : memref<125x128xf32, #tpu.memory_space<vmem>> -> memref<80x128xf32, #tpu.memory_space<vmem>>
        %dma_wait3A_100 = arith.constant 0 : i32
        %dma_wait3A_101 = tpu.memref_slice %arg6[%add3A_76, %dma_wait3A_100] : memref<10240x128xf32, #tpu.memory_space<vmem_shared>> -> memref<80x128xf32, #tpu.memory_space<vmem_shared>>
        %dma_wait3A_102 = arith.constant 0 : i32
        %dma_wait3A_103 = tpu.memref_slice %arg6[%add3A_76, %dma_wait3A_102] : memref<10240x128xf32, #tpu.memory_space<vmem_shared>> -> memref<80x128xf32, #tpu.memory_space<vmem_shared>>
        %dma_wait3A_104 = arith.constant 0 : i32
        %dma_wait3A_105 = arith.constant 0 : i32
        %dma_wait3A_106 = tpu.memref_slice %arg9[%dma_wait3A_104, %dma_wait3A_105] : memref<125x128xf32, #tpu.memory_space<vmem>> -> memref<80x128xf32, #tpu.memory_space<vmem>>
        tpu.wait_dma2 semaphore(%run_scoped3A_87 : memref<!tpu.dma_semaphore, #tpu.memory_space<semaphore_mem>>) src(%dma_wait3A_106 : memref<80x128xf32, #tpu.memory_space<vmem>>) dst(%dma_wait3A_103 : memref<80x128xf32, #tpu.memory_space<vmem_shared>>)
        tpu.yield
      }) : () -> ()
      %add3A_77 = arith.constant 240 : i32
      %add3A_78 = arith.addi %mul3A_2, %add3A_77 : i32
      "tpu.region"() ({
        %run_scoped3A_87 = tpu.sem_alloc : memref<!tpu.dma_semaphore, #tpu.memory_space<semaphore_mem>>
        %dma_start3A_88 = arith.constant 0 : i32
        %dma_start3A_89 = arith.constant 0 : i32
        %dma_start3A_90 = tpu.memref_slice %arg9[%dma_start3A_88, %dma_start3A_89] : memref<125x128xf32, #tpu.memory_space<vmem>> -> memref<80x128xf32, #tpu.memory_space<vmem>>
        %dma_start3A_91 = arith.constant 0 : i32
        %dma_start3A_92 = tpu.memref_slice %arg6[%add3A_78, %dma_start3A_91] : memref<10240x128xf32, #tpu.memory_space<vmem_shared>> -> memref<80x128xf32, #tpu.memory_space<vmem_shared>>
        %dma_start3A_93 = arith.constant 0 : i32
        %dma_start3A_94 = tpu.memref_slice %arg6[%add3A_78, %dma_start3A_93] : memref<10240x128xf32, #tpu.memory_space<vmem_shared>> -> memref<80x128xf32, #tpu.memory_space<vmem_shared>>
        %dma_start3A_95 = arith.constant 0 : i32
        %dma_start3A_96 = arith.constant 0 : i32
        %dma_start3A_97 = tpu.memref_slice %arg9[%dma_start3A_95, %dma_start3A_96] : memref<125x128xf32, #tpu.memory_space<vmem>> -> memref<80x128xf32, #tpu.memory_space<vmem>>
        tpu.enqueue_dma source(%dma_start3A_97 : memref<80x128xf32, #tpu.memory_space<vmem>>) target(%dma_start3A_94 : memref<80x128xf32, #tpu.memory_space<vmem_shared>>) target_semaphore(%run_scoped3A_87 : memref<!tpu.dma_semaphore, #tpu.memory_space<semaphore_mem>>)
        %dma_wait3A = arith.constant 0 : i32
        %dma_wait3A_98 = arith.constant 0 : i32
        %dma_wait3A_99 = tpu.memref_slice %arg9[%dma_wait3A, %dma_wait3A_98] : memref<125x128xf32, #tpu.memory_space<vmem>> -> memref<80x128xf32, #tpu.memory_space<vmem>>
        %dma_wait3A_100 = arith.constant 0 : i32
        %dma_wait3A_101 = tpu.memref_slice %arg6[%add3A_78, %dma_wait3A_100] : memref<10240x128xf32, #tpu.memory_space<vmem_shared>> -> memref<80x128xf32, #tpu.memory_space<vmem_shared>>
        %dma_wait3A_102 = arith.constant 0 : i32
        %dma_wait3A_103 = tpu.memref_slice %arg6[%add3A_78, %dma_wait3A_102] : memref<10240x128xf32, #tpu.memory_space<vmem_shared>> -> memref<80x128xf32, #tpu.memory_space<vmem_shared>>
        %dma_wait3A_104 = arith.constant 0 : i32
        %dma_wait3A_105 = arith.constant 0 : i32
        %dma_wait3A_106 = tpu.memref_slice %arg9[%dma_wait3A_104, %dma_wait3A_105] : memref<125x128xf32, #tpu.memory_space<vmem>> -> memref<80x128xf32, #tpu.memory_space<vmem>>
        tpu.wait_dma2 semaphore(%run_scoped3A_87 : memref<!tpu.dma_semaphore, #tpu.memory_space<semaphore_mem>>) src(%dma_wait3A_106 : memref<80x128xf32, #tpu.memory_space<vmem>>) dst(%dma_wait3A_103 : memref<80x128xf32, #tpu.memory_space<vmem_shared>>)
        tpu.yield
      }) : () -> ()
      %add3A_79 = arith.constant 320 : i32
      %add3A_80 = arith.addi %mul3A_2, %add3A_79 : i32
      "tpu.region"() ({
        %run_scoped3A_87 = tpu.sem_alloc : memref<!tpu.dma_semaphore, #tpu.memory_space<semaphore_mem>>
        %dma_start3A_88 = arith.constant 0 : i32
        %dma_start3A_89 = arith.constant 0 : i32
        %dma_start3A_90 = tpu.memref_slice %arg9[%dma_start3A_88, %dma_start3A_89] : memref<125x128xf32, #tpu.memory_space<vmem>> -> memref<80x128xf32, #tpu.memory_space<vmem>>
        %dma_start3A_91 = arith.constant 0 : i32
        %dma_start3A_92 = tpu.memref_slice %arg6[%add3A_80, %dma_start3A_91] : memref<10240x128xf32, #tpu.memory_space<vmem_shared>> -> memref<80x128xf32, #tpu.memory_space<vmem_shared>>
        %dma_start3A_93 = arith.constant 0 : i32
        %dma_start3A_94 = tpu.memref_slice %arg6[%add3A_80, %dma_start3A_93] : memref<10240x128xf32, #tpu.memory_space<vmem_shared>> -> memref<80x128xf32, #tpu.memory_space<vmem_shared>>
        %dma_start3A_95 = arith.constant 0 : i32
        %dma_start3A_96 = arith.constant 0 : i32
        %dma_start3A_97 = tpu.memref_slice %arg9[%dma_start3A_95, %dma_start3A_96] : memref<125x128xf32, #tpu.memory_space<vmem>> -> memref<80x128xf32, #tpu.memory_space<vmem>>
        tpu.enqueue_dma source(%dma_start3A_97 : memref<80x128xf32, #tpu.memory_space<vmem>>) target(%dma_start3A_94 : memref<80x128xf32, #tpu.memory_space<vmem_shared>>) target_semaphore(%run_scoped3A_87 : memref<!tpu.dma_semaphore, #tpu.memory_space<semaphore_mem>>)
        %dma_wait3A = arith.constant 0 : i32
        %dma_wait3A_98 = arith.constant 0 : i32
        %dma_wait3A_99 = tpu.memref_slice %arg9[%dma_wait3A, %dma_wait3A_98] : memref<125x128xf32, #tpu.memory_space<vmem>> -> memref<80x128xf32, #tpu.memory_space<vmem>>
        %dma_wait3A_100 = arith.constant 0 : i32
        %dma_wait3A_101 = tpu.memref_slice %arg6[%add3A_80, %dma_wait3A_100] : memref<10240x128xf32, #tpu.memory_space<vmem_shared>> -> memref<80x128xf32, #tpu.memory_space<vmem_shared>>
        %dma_wait3A_102 = arith.constant 0 : i32
        %dma_wait3A_103 = tpu.memref_slice %arg6[%add3A_80, %dma_wait3A_102] : memref<10240x128xf32, #tpu.memory_space<vmem_shared>> -> memref<80x128xf32, #tpu.memory_space<vmem_shared>>
        %dma_wait3A_104 = arith.constant 0 : i32
        %dma_wait3A_105 = arith.constant 0 : i32
        %dma_wait3A_106 = tpu.memref_slice %arg9[%dma_wait3A_104, %dma_wait3A_105] : memref<125x128xf32, #tpu.memory_space<vmem>> -> memref<80x128xf32, #tpu.memory_space<vmem>>
        tpu.wait_dma2 semaphore(%run_scoped3A_87 : memref<!tpu.dma_semaphore, #tpu.memory_space<semaphore_mem>>) src(%dma_wait3A_106 : memref<80x128xf32, #tpu.memory_space<vmem>>) dst(%dma_wait3A_103 : memref<80x128xf32, #tpu.memory_space<vmem_shared>>)
        tpu.yield
      }) : () -> ()
      %add3A_81 = arith.constant 400 : i32
      %add3A_82 = arith.addi %mul3A_2, %add3A_81 : i32
      "tpu.region"() ({
        %run_scoped3A_87 = tpu.sem_alloc : memref<!tpu.dma_semaphore, #tpu.memory_space<semaphore_mem>>
        %dma_start3A_88 = arith.constant 0 : i32
        %dma_start3A_89 = arith.constant 0 : i32
        %dma_start3A_90 = tpu.memref_slice %arg9[%dma_start3A_88, %dma_start3A_89] : memref<125x128xf32, #tpu.memory_space<vmem>> -> memref<80x128xf32, #tpu.memory_space<vmem>>
        %dma_start3A_91 = arith.constant 0 : i32
        %dma_start3A_92 = tpu.memref_slice %arg6[%add3A_82, %dma_start3A_91] : memref<10240x128xf32, #tpu.memory_space<vmem_shared>> -> memref<80x128xf32, #tpu.memory_space<vmem_shared>>
        %dma_start3A_93 = arith.constant 0 : i32
        %dma_start3A_94 = tpu.memref_slice %arg6[%add3A_82, %dma_start3A_93] : memref<10240x128xf32, #tpu.memory_space<vmem_shared>> -> memref<80x128xf32, #tpu.memory_space<vmem_shared>>
        %dma_start3A_95 = arith.constant 0 : i32
        %dma_start3A_96 = arith.constant 0 : i32
        %dma_start3A_97 = tpu.memref_slice %arg9[%dma_start3A_95, %dma_start3A_96] : memref<125x128xf32, #tpu.memory_space<vmem>> -> memref<80x128xf32, #tpu.memory_space<vmem>>
        tpu.enqueue_dma source(%dma_start3A_97 : memref<80x128xf32, #tpu.memory_space<vmem>>) target(%dma_start3A_94 : memref<80x128xf32, #tpu.memory_space<vmem_shared>>) target_semaphore(%run_scoped3A_87 : memref<!tpu.dma_semaphore, #tpu.memory_space<semaphore_mem>>)
        %dma_wait3A = arith.constant 0 : i32
        %dma_wait3A_98 = arith.constant 0 : i32
        %dma_wait3A_99 = tpu.memref_slice %arg9[%dma_wait3A, %dma_wait3A_98] : memref<125x128xf32, #tpu.memory_space<vmem>> -> memref<80x128xf32, #tpu.memory_space<vmem>>
        %dma_wait3A_100 = arith.constant 0 : i32
        %dma_wait3A_101 = tpu.memref_slice %arg6[%add3A_82, %dma_wait3A_100] : memref<10240x128xf32, #tpu.memory_space<vmem_shared>> -> memref<80x128xf32, #tpu.memory_space<vmem_shared>>
        %dma_wait3A_102 = arith.constant 0 : i32
        %dma_wait3A_103 = tpu.memref_slice %arg6[%add3A_82, %dma_wait3A_102] : memref<10240x128xf32, #tpu.memory_space<vmem_shared>> -> memref<80x128xf32, #tpu.memory_space<vmem_shared>>
        %dma_wait3A_104 = arith.constant 0 : i32
        %dma_wait3A_105 = arith.constant 0 : i32
        %dma_wait3A_106 = tpu.memref_slice %arg9[%dma_wait3A_104, %dma_wait3A_105] : memref<125x128xf32, #tpu.memory_space<vmem>> -> memref<80x128xf32, #tpu.memory_space<vmem>>
        tpu.wait_dma2 semaphore(%run_scoped3A_87 : memref<!tpu.dma_semaphore, #tpu.memory_space<semaphore_mem>>) src(%dma_wait3A_106 : memref<80x128xf32, #tpu.memory_space<vmem>>) dst(%dma_wait3A_103 : memref<80x128xf32, #tpu.memory_space<vmem_shared>>)
        tpu.yield
      }) : () -> ()
      %add3A_83 = arith.constant 480 : i32
      %add3A_84 = arith.addi %mul3A_2, %add3A_83 : i32
      "tpu.region"() ({
        %run_scoped3A_87 = tpu.sem_alloc : memref<!tpu.dma_semaphore, #tpu.memory_space<semaphore_mem>>
        %dma_start3A_88 = arith.constant 0 : i32
        %dma_start3A_89 = arith.constant 0 : i32
        %dma_start3A_90 = tpu.memref_slice %arg9[%dma_start3A_88, %dma_start3A_89] : memref<125x128xf32, #tpu.memory_space<vmem>> -> memref<80x128xf32, #tpu.memory_space<vmem>>
        %dma_start3A_91 = arith.constant 0 : i32
        %dma_start3A_92 = tpu.memref_slice %arg6[%add3A_84, %dma_start3A_91] : memref<10240x128xf32, #tpu.memory_space<vmem_shared>> -> memref<80x128xf32, #tpu.memory_space<vmem_shared>>
        %dma_start3A_93 = arith.constant 0 : i32
        %dma_start3A_94 = tpu.memref_slice %arg6[%add3A_84, %dma_start3A_93] : memref<10240x128xf32, #tpu.memory_space<vmem_shared>> -> memref<80x128xf32, #tpu.memory_space<vmem_shared>>
        %dma_start3A_95 = arith.constant 0 : i32
        %dma_start3A_96 = arith.constant 0 : i32
        %dma_start3A_97 = tpu.memref_slice %arg9[%dma_start3A_95, %dma_start3A_96] : memref<125x128xf32, #tpu.memory_space<vmem>> -> memref<80x128xf32, #tpu.memory_space<vmem>>
        tpu.enqueue_dma source(%dma_start3A_97 : memref<80x128xf32, #tpu.memory_space<vmem>>) target(%dma_start3A_94 : memref<80x128xf32, #tpu.memory_space<vmem_shared>>) target_semaphore(%run_scoped3A_87 : memref<!tpu.dma_semaphore, #tpu.memory_space<semaphore_mem>>)
        %dma_wait3A = arith.constant 0 : i32
        %dma_wait3A_98 = arith.constant 0 : i32
        %dma_wait3A_99 = tpu.memref_slice %arg9[%dma_wait3A, %dma_wait3A_98] : memref<125x128xf32, #tpu.memory_space<vmem>> -> memref<80x128xf32, #tpu.memory_space<vmem>>
        %dma_wait3A_100 = arith.constant 0 : i32
        %dma_wait3A_101 = tpu.memref_slice %arg6[%add3A_84, %dma_wait3A_100] : memref<10240x128xf32, #tpu.memory_space<vmem_shared>> -> memref<80x128xf32, #tpu.memory_space<vmem_shared>>
        %dma_wait3A_102 = arith.constant 0 : i32
        %dma_wait3A_103 = tpu.memref_slice %arg6[%add3A_84, %dma_wait3A_102] : memref<10240x128xf32, #tpu.memory_space<vmem_shared>> -> memref<80x128xf32, #tpu.memory_space<vmem_shared>>
        %dma_wait3A_104 = arith.constant 0 : i32
        %dma_wait3A_105 = arith.constant 0 : i32
        %dma_wait3A_106 = tpu.memref_slice %arg9[%dma_wait3A_104, %dma_wait3A_105] : memref<125x128xf32, #tpu.memory_space<vmem>> -> memref<80x128xf32, #tpu.memory_space<vmem>>
        tpu.wait_dma2 semaphore(%run_scoped3A_87 : memref<!tpu.dma_semaphore, #tpu.memory_space<semaphore_mem>>) src(%dma_wait3A_106 : memref<80x128xf32, #tpu.memory_space<vmem>>) dst(%dma_wait3A_103 : memref<80x128xf32, #tpu.memory_space<vmem_shared>>)
        tpu.yield
      }) : () -> ()
      %add3A_85 = arith.constant 560 : i32
      %add3A_86 = arith.addi %mul3A_2, %add3A_85 : i32
      "tpu.region"() ({
        %run_scoped3A_87 = tpu.sem_alloc : memref<!tpu.dma_semaphore, #tpu.memory_space<semaphore_mem>>
        %dma_start3A_88 = arith.constant 0 : i32
        %dma_start3A_89 = arith.constant 0 : i32
        %dma_start3A_90 = tpu.memref_slice %arg9[%dma_start3A_88, %dma_start3A_89] : memref<125x128xf32, #tpu.memory_space<vmem>> -> memref<80x128xf32, #tpu.memory_space<vmem>>
        %dma_start3A_91 = arith.constant 0 : i32
        %dma_start3A_92 = tpu.memref_slice %arg6[%add3A_86, %dma_start3A_91] : memref<10240x128xf32, #tpu.memory_space<vmem_shared>> -> memref<80x128xf32, #tpu.memory_space<vmem_shared>>
        %dma_start3A_93 = arith.constant 0 : i32
        %dma_start3A_94 = tpu.memref_slice %arg6[%add3A_86, %dma_start3A_93] : memref<10240x128xf32, #tpu.memory_space<vmem_shared>> -> memref<80x128xf32, #tpu.memory_space<vmem_shared>>
        %dma_start3A_95 = arith.constant 0 : i32
        %dma_start3A_96 = arith.constant 0 : i32
        %dma_start3A_97 = tpu.memref_slice %arg9[%dma_start3A_95, %dma_start3A_96] : memref<125x128xf32, #tpu.memory_space<vmem>> -> memref<80x128xf32, #tpu.memory_space<vmem>>
        tpu.enqueue_dma source(%dma_start3A_97 : memref<80x128xf32, #tpu.memory_space<vmem>>) target(%dma_start3A_94 : memref<80x128xf32, #tpu.memory_space<vmem_shared>>) target_semaphore(%run_scoped3A_87 : memref<!tpu.dma_semaphore, #tpu.memory_space<semaphore_mem>>)
        %dma_wait3A = arith.constant 0 : i32
        %dma_wait3A_98 = arith.constant 0 : i32
        %dma_wait3A_99 = tpu.memref_slice %arg9[%dma_wait3A, %dma_wait3A_98] : memref<125x128xf32, #tpu.memory_space<vmem>> -> memref<80x128xf32, #tpu.memory_space<vmem>>
        %dma_wait3A_100 = arith.constant 0 : i32
        %dma_wait3A_101 = tpu.memref_slice %arg6[%add3A_86, %dma_wait3A_100] : memref<10240x128xf32, #tpu.memory_space<vmem_shared>> -> memref<80x128xf32, #tpu.memory_space<vmem_shared>>
        %dma_wait3A_102 = arith.constant 0 : i32
        %dma_wait3A_103 = tpu.memref_slice %arg6[%add3A_86, %dma_wait3A_102] : memref<10240x128xf32, #tpu.memory_space<vmem_shared>> -> memref<80x128xf32, #tpu.memory_space<vmem_shared>>
        %dma_wait3A_104 = arith.constant 0 : i32
        %dma_wait3A_105 = arith.constant 0 : i32
        %dma_wait3A_106 = tpu.memref_slice %arg9[%dma_wait3A_104, %dma_wait3A_105] : memref<125x128xf32, #tpu.memory_space<vmem>> -> memref<80x128xf32, #tpu.memory_space<vmem>>
        tpu.wait_dma2 semaphore(%run_scoped3A_87 : memref<!tpu.dma_semaphore, #tpu.memory_space<semaphore_mem>>) src(%dma_wait3A_106 : memref<80x128xf32, #tpu.memory_space<vmem>>) dst(%dma_wait3A_103 : memref<80x128xf32, #tpu.memory_space<vmem_shared>>)
        tpu.yield
      }) : () -> ()
    } else {
    }
    %barrier3A = arith.constant 0 : index
    tpu.barrier barrier_id(%barrier3A)
    %run_scoped3A = arith.constant 0 : i32
    "tpu.region"() ({
      %run_scoped3A_64 = tpu.sem_alloc : memref<!tpu.dma_semaphore, #tpu.memory_space<semaphore_mem>>
      %dma_start3A_65 = arith.constant 0 : i32
      %dma_start3A_66 = arith.constant 0 : i32
      %dma_start3A_67 = tpu.memref_slice %arg3[%add3A, %run_scoped3A, %dma_start3A_65, %dma_start3A_66] : memref<32x2x40x125xi32, #tpu.memory_space<hbm>> -> memref<1x1x40x125xi32, #tpu.memory_space<hbm>>
      %dma_start3A_68 = tpu.memref_squeeze %dma_start3A_67 : memref<1x1x40x125xi32, #tpu.memory_space<hbm>> -> memref<40x125xi32, #tpu.memory_space<hbm>>
      %dma_start3A_69 = arith.constant 0 : i32
      %dma_start3A_70 = arith.constant 0 : i32
      %dma_start3A_71 = tpu.memref_slice %arg3[%add3A, %run_scoped3A, %dma_start3A_69, %dma_start3A_70] : memref<32x2x40x125xi32, #tpu.memory_space<hbm>> -> memref<1x1x40x125xi32, #tpu.memory_space<hbm>>
      %dma_start3A_72 = tpu.memref_squeeze %dma_start3A_71 : memref<1x1x40x125xi32, #tpu.memory_space<hbm>> -> memref<40x125xi32, #tpu.memory_space<hbm>>
      tpu.enqueue_dma source(%dma_start3A_72 : memref<40x125xi32, #tpu.memory_space<hbm>>) target(%arg7 : memref<40x125xi32, #tpu.memory_space<vmem>>) target_semaphore(%run_scoped3A_64 : memref<!tpu.dma_semaphore, #tpu.memory_space<semaphore_mem>>)
      %dma_wait3A = arith.constant 0 : i32
      %dma_wait3A_73 = arith.constant 0 : i32
      %dma_wait3A_74 = tpu.memref_slice %arg3[%add3A, %run_scoped3A, %dma_wait3A, %dma_wait3A_73] : memref<32x2x40x125xi32, #tpu.memory_space<hbm>> -> memref<1x1x40x125xi32, #tpu.memory_space<hbm>>
      %dma_wait3A_75 = tpu.memref_squeeze %dma_wait3A_74 : memref<1x1x40x125xi32, #tpu.memory_space<hbm>> -> memref<40x125xi32, #tpu.memory_space<hbm>>
      %dma_wait3A_76 = arith.constant 0 : i32
      %dma_wait3A_77 = arith.constant 0 : i32
      %dma_wait3A_78 = tpu.memref_slice %arg3[%add3A, %run_scoped3A, %dma_wait3A_76, %dma_wait3A_77] : memref<32x2x40x125xi32, #tpu.memory_space<hbm>> -> memref<1x1x40x125xi32, #tpu.memory_space<hbm>>
      %dma_wait3A_79 = tpu.memref_squeeze %dma_wait3A_78 : memref<1x1x40x125xi32, #tpu.memory_space<hbm>> -> memref<40x125xi32, #tpu.memory_space<hbm>>
      tpu.wait_dma2 semaphore(%run_scoped3A_64 : memref<!tpu.dma_semaphore, #tpu.memory_space<semaphore_mem>>) src(%dma_wait3A_79 : memref<40x125xi32, #tpu.memory_space<hbm>>) dst(%arg7 : memref<40x125xi32, #tpu.memory_space<vmem>>)
      tpu.yield
    }) : () -> ()
    %run_scoped3A_10 = arith.constant 0 : i32
    "tpu.region"() ({
      %run_scoped3A_64 = tpu.sem_alloc : memref<!tpu.dma_semaphore, #tpu.memory_space<semaphore_mem>>
      %dma_start3A_65 = arith.constant 0 : i32
      %dma_start3A_66 = arith.constant 0 : i32
      %dma_start3A_67 = tpu.memref_slice %arg4[%add3A, %run_scoped3A_10, %dma_start3A_65, %dma_start3A_66] : memref<32x2x40x125xi32, #tpu.memory_space<hbm>> -> memref<1x1x40x125xi32, #tpu.memory_space<hbm>>
      %dma_start3A_68 = tpu.memref_squeeze %dma_start3A_67 : memref<1x1x40x125xi32, #tpu.memory_space<hbm>> -> memref<40x125xi32, #tpu.memory_space<hbm>>
      %dma_start3A_69 = arith.constant 0 : i32
      %dma_start3A_70 = arith.constant 0 : i32
      %dma_start3A_71 = tpu.memref_slice %arg4[%add3A, %run_scoped3A_10, %dma_start3A_69, %dma_start3A_70] : memref<32x2x40x125xi32, #tpu.memory_space<hbm>> -> memref<1x1x40x125xi32, #tpu.memory_space<hbm>>
      %dma_start3A_72 = tpu.memref_squeeze %dma_start3A_71 : memref<1x1x40x125xi32, #tpu.memory_space<hbm>> -> memref<40x125xi32, #tpu.memory_space<hbm>>
      tpu.enqueue_dma source(%dma_start3A_72 : memref<40x125xi32, #tpu.memory_space<hbm>>) target(%arg8 : memref<40x125xi32, #tpu.memory_space<vmem>>) target_semaphore(%run_scoped3A_64 : memref<!tpu.dma_semaphore, #tpu.memory_space<semaphore_mem>>)
      %dma_wait3A = arith.constant 0 : i32
      %dma_wait3A_73 = arith.constant 0 : i32
      %dma_wait3A_74 = tpu.memref_slice %arg4[%add3A, %run_scoped3A_10, %dma_wait3A, %dma_wait3A_73] : memref<32x2x40x125xi32, #tpu.memory_space<hbm>> -> memref<1x1x40x125xi32, #tpu.memory_space<hbm>>
      %dma_wait3A_75 = tpu.memref_squeeze %dma_wait3A_74 : memref<1x1x40x125xi32, #tpu.memory_space<hbm>> -> memref<40x125xi32, #tpu.memory_space<hbm>>
      %dma_wait3A_76 = arith.constant 0 : i32
      %dma_wait3A_77 = arith.constant 0 : i32
      %dma_wait3A_78 = tpu.memref_slice %arg4[%add3A, %run_scoped3A_10, %dma_wait3A_76, %dma_wait3A_77] : memref<32x2x40x125xi32, #tpu.memory_space<hbm>> -> memref<1x1x40x125xi32, #tpu.memory_space<hbm>>
      %dma_wait3A_79 = tpu.memref_squeeze %dma_wait3A_78 : memref<1x1x40x125xi32, #tpu.memory_space<hbm>> -> memref<40x125xi32, #tpu.memory_space<hbm>>
      tpu.wait_dma2 semaphore(%run_scoped3A_64 : memref<!tpu.dma_semaphore, #tpu.memory_space<semaphore_mem>>) src(%dma_wait3A_79 : memref<40x125xi32, #tpu.memory_space<hbm>>) dst(%arg8 : memref<40x125xi32, #tpu.memory_space<vmem>>)
      tpu.yield
    }) : () -> ()
    %dma_start3A = arith.constant 0 : i32
    %dma_start3A_11 = arith.constant 0 : i32
    %dma_start3A_12 = arith.constant 0 : i32
    %dma_start3A_13 = tpu.memref_slice %arg9[%dma_start3A_11, %dma_start3A_12] : memref<125x128xf32, #tpu.memory_space<vmem>> -> memref<64x128xf32, #tpu.memory_space<vmem>>
    %dma_start3A_14 = arith.constant 0 : i32
    %dma_start3A_15 = tpu.memref_slice %arg7[%dma_start3A, %dma_start3A_14] : memref<40x125xi32, #tpu.memory_space<vmem>> -> memref<1x64xi32, #tpu.memory_space<vmem>>
    %dma_start3A_16 = tpu.memref_squeeze %dma_start3A_15 : memref<1x64xi32, #tpu.memory_space<vmem>> -> memref<64xi32, #tpu.memory_space<vmem>>
    %dma_start3A_17 = arith.constant 0 : i32
    %dma_start3A_18 = arith.constant 0 : i32
    %dma_start3A_19 = tpu.memref_slice %arg2[%dma_start3A_17, %dma_start3A_18] : memref<10240x128xf32, #tpu.memory_space<hbm>> -> memref<10240x128xf32, #tpu.memory_space<hbm>>
    tpu.enqueue_indirect_dma source(%dma_start3A_19 : memref<10240x128xf32, #tpu.memory_space<hbm>>) target(%dma_start3A_13 : memref<64x128xf32, #tpu.memory_space<vmem>>) offsets(%dma_start3A_16 : memref<64xi32, #tpu.memory_space<vmem>>) semaphore(%arg11 : memref<!tpu.dma_semaphore, #tpu.memory_space<semaphore_mem>>)
    %dma_start3A_20 = arith.constant 0 : i32
    %dma_start3A_21 = arith.constant 64 : i32
    %dma_start3A_22 = arith.constant 0 : i32
    %dma_start3A_23 = tpu.memref_slice %arg9[%dma_start3A_21, %dma_start3A_22] : memref<125x128xf32, #tpu.memory_space<vmem>> -> memref<61x128xf32, #tpu.memory_space<vmem>>
    %dma_start3A_24 = arith.constant 64 : i32
    %dma_start3A_25 = tpu.memref_slice %arg7[%dma_start3A_20, %dma_start3A_24] : memref<40x125xi32, #tpu.memory_space<vmem>> -> memref<1x61xi32, #tpu.memory_space<vmem>>
    %dma_start3A_26 = tpu.memref_squeeze %dma_start3A_25 : memref<1x61xi32, #tpu.memory_space<vmem>> -> memref<61xi32, #tpu.memory_space<vmem>>
    %dma_start3A_27 = arith.constant 0 : i32
    %dma_start3A_28 = arith.constant 0 : i32
    %dma_start3A_29 = tpu.memref_slice %arg2[%dma_start3A_27, %dma_start3A_28] : memref<10240x128xf32, #tpu.memory_space<hbm>> -> memref<10240x128xf32, #tpu.memory_space<hbm>>
    tpu.enqueue_indirect_dma source(%dma_start3A_29 : memref<10240x128xf32, #tpu.memory_space<hbm>>) target(%dma_start3A_23 : memref<61x128xf32, #tpu.memory_space<vmem>>) offsets(%dma_start3A_26 : memref<61xi32, #tpu.memory_space<vmem>>) semaphore(%arg11 : memref<!tpu.dma_semaphore, #tpu.memory_space<semaphore_mem>>)
    %scan3A = arith.constant 0 : i32
    %scan3A_30 = arith.constant 0 : i32
    %scan3A_31 = arith.constant 20 : i32
    %scan3A_32 = arith.addi %scan3A_30, %scan3A_31 : i32
    %scan3A_33 = arith.constant 1 : i32
    scf.for %scan3A_64 = %scan3A_30 to %scan3A_32 step %scan3A_33  : i32 {
      %mul3A_65 = arith.constant 2 : i32
      %mul3A_66 = arith.muli %mul3A_65, %scan3A_64 : i32
      %mul3A_67 = arith.constant 2 : i32
      %mul3A_68 = arith.muli %mul3A_67, %scan3A_64 : i32
      %add3A_69 = arith.constant 1 : i32
      %add3A_70 = arith.addi %mul3A_68, %add3A_69 : i32
      %dma_wait3A = arith.constant 0 : i32
      %dma_wait3A_71 = arith.constant 0 : i32
      %dma_wait3A_72 = tpu.memref_slice %arg9[%dma_wait3A, %dma_wait3A_71] : memref<125x128xf32, #tpu.memory_space<vmem>> -> memref<64x128xf32, #tpu.memory_space<vmem>>
      %dma_wait3A_73 = arith.constant 0 : i32
      %dma_wait3A_74 = tpu.memref_slice %arg7[%mul3A_66, %dma_wait3A_73] : memref<40x125xi32, #tpu.memory_space<vmem>> -> memref<1x64xi32, #tpu.memory_space<vmem>>
      %dma_wait3A_75 = tpu.memref_squeeze %dma_wait3A_74 : memref<1x64xi32, #tpu.memory_space<vmem>> -> memref<64xi32, #tpu.memory_space<vmem>>
      %dma_wait3A_76 = arith.constant 0 : i32
      %dma_wait3A_77 = arith.constant 0 : i32
      %dma_wait3A_78 = tpu.memref_slice %arg2[%dma_wait3A_76, %dma_wait3A_77] : memref<10240x128xf32, #tpu.memory_space<hbm>> -> memref<10240x128xf32, #tpu.memory_space<hbm>>
      tpu.wait_indirect_dma semaphore(%arg11 : memref<!tpu.dma_semaphore, #tpu.memory_space<semaphore_mem>>) src(%dma_wait3A_78 : memref<10240x128xf32, #tpu.memory_space<hbm>>) dst(%dma_wait3A_72 : memref<64x128xf32, #tpu.memory_space<vmem>>)
      %dma_wait3A_79 = arith.constant 64 : i32
      %dma_wait3A_80 = arith.constant 0 : i32
      %dma_wait3A_81 = tpu.memref_slice %arg9[%dma_wait3A_79, %dma_wait3A_80] : memref<125x128xf32, #tpu.memory_space<vmem>> -> memref<61x128xf32, #tpu.memory_space<vmem>>
      %dma_wait3A_82 = arith.constant 64 : i32
      %dma_wait3A_83 = tpu.memref_slice %arg7[%mul3A_66, %dma_wait3A_82] : memref<40x125xi32, #tpu.memory_space<vmem>> -> memref<1x61xi32, #tpu.memory_space<vmem>>
      %dma_wait3A_84 = tpu.memref_squeeze %dma_wait3A_83 : memref<1x61xi32, #tpu.memory_space<vmem>> -> memref<61xi32, #tpu.memory_space<vmem>>
      %dma_wait3A_85 = arith.constant 0 : i32
      %dma_wait3A_86 = arith.constant 0 : i32
      %dma_wait3A_87 = tpu.memref_slice %arg2[%dma_wait3A_85, %dma_wait3A_86] : memref<10240x128xf32, #tpu.memory_space<hbm>> -> memref<10240x128xf32, #tpu.memory_space<hbm>>
      tpu.wait_indirect_dma semaphore(%arg11 : memref<!tpu.dma_semaphore, #tpu.memory_space<semaphore_mem>>) src(%dma_wait3A_87 : memref<10240x128xf32, #tpu.memory_space<hbm>>) dst(%dma_wait3A_81 : memref<61x128xf32, #tpu.memory_space<vmem>>)
      %dma_start3A_88 = arith.constant 0 : i32
      %dma_start3A_89 = arith.constant 0 : i32
      %dma_start3A_90 = tpu.memref_slice %arg10[%dma_start3A_88, %dma_start3A_89] : memref<125x128xf32, #tpu.memory_space<vmem>> -> memref<64x128xf32, #tpu.memory_space<vmem>>
      %dma_start3A_91 = arith.constant 0 : i32
      %dma_start3A_92 = tpu.memref_slice %arg7[%add3A_70, %dma_start3A_91] : memref<40x125xi32, #tpu.memory_space<vmem>> -> memref<1x64xi32, #tpu.memory_space<vmem>>
      %dma_start3A_93 = tpu.memref_squeeze %dma_start3A_92 : memref<1x64xi32, #tpu.memory_space<vmem>> -> memref<64xi32, #tpu.memory_space<vmem>>
      %dma_start3A_94 = arith.constant 0 : i32
      %dma_start3A_95 = arith.constant 0 : i32
      %dma_start3A_96 = tpu.memref_slice %arg2[%dma_start3A_94, %dma_start3A_95] : memref<10240x128xf32, #tpu.memory_space<hbm>> -> memref<10240x128xf32, #tpu.memory_space<hbm>>
      tpu.enqueue_indirect_dma source(%dma_start3A_96 : memref<10240x128xf32, #tpu.memory_space<hbm>>) target(%dma_start3A_90 : memref<64x128xf32, #tpu.memory_space<vmem>>) offsets(%dma_start3A_93 : memref<64xi32, #tpu.memory_space<vmem>>) semaphore(%arg12 : memref<!tpu.dma_semaphore, #tpu.memory_space<semaphore_mem>>)
      %dma_start3A_97 = arith.constant 64 : i32
      %dma_start3A_98 = arith.constant 0 : i32
      %dma_start3A_99 = tpu.memref_slice %arg10[%dma_start3A_97, %dma_start3A_98] : memref<125x128xf32, #tpu.memory_space<vmem>> -> memref<61x128xf32, #tpu.memory_space<vmem>>
      %dma_start3A_100 = arith.constant 64 : i32
      %dma_start3A_101 = tpu.memref_slice %arg7[%add3A_70, %dma_start3A_100] : memref<40x125xi32, #tpu.memory_space<vmem>> -> memref<1x61xi32, #tpu.memory_space<vmem>>
      %dma_start3A_102 = tpu.memref_squeeze %dma_start3A_101 : memref<1x61xi32, #tpu.memory_space<vmem>> -> memref<61xi32, #tpu.memory_space<vmem>>
      %dma_start3A_103 = arith.constant 0 : i32
      %dma_start3A_104 = arith.constant 0 : i32
      %dma_start3A_105 = tpu.memref_slice %arg2[%dma_start3A_103, %dma_start3A_104] : memref<10240x128xf32, #tpu.memory_space<hbm>> -> memref<10240x128xf32, #tpu.memory_space<hbm>>
      tpu.enqueue_indirect_dma source(%dma_start3A_105 : memref<10240x128xf32, #tpu.memory_space<hbm>>) target(%dma_start3A_99 : memref<61x128xf32, #tpu.memory_space<vmem>>) offsets(%dma_start3A_102 : memref<61xi32, #tpu.memory_space<vmem>>) semaphore(%arg12 : memref<!tpu.dma_semaphore, #tpu.memory_space<semaphore_mem>>)
      "tpu.region"() ({
        %run_scoped3A_131 = tpu.sem_alloc : memref<!tpu.dma_semaphore, #tpu.memory_space<semaphore_mem>>
        %dma_start3A_132 = arith.constant 0 : i32
        %dma_start3A_133 = tpu.memref_slice %arg8[%mul3A_66, %dma_start3A_132] : memref<40x125xi32, #tpu.memory_space<vmem>> -> memref<1x125xi32, #tpu.memory_space<vmem>>
        %dma_start3A_134 = tpu.memref_squeeze %dma_start3A_133 : memref<1x125xi32, #tpu.memory_space<vmem>> -> memref<125xi32, #tpu.memory_space<vmem>>
        %dma_start3A_135 = arith.constant 0 : i32
        %dma_start3A_136 = arith.constant 0 : i32
        %dma_start3A_137 = tpu.memref_slice %arg6[%dma_start3A_135, %dma_start3A_136] : memref<10240x128xf32, #tpu.memory_space<vmem_shared>> -> memref<10240x128xf32, #tpu.memory_space<vmem_shared>>
        tpu.enqueue_indirect_dma source(%arg9 : memref<125x128xf32, #tpu.memory_space<vmem>>) target(%dma_start3A_137 : memref<10240x128xf32, #tpu.memory_space<vmem_shared>>) offsets(%dma_start3A_134 : memref<125xi32, #tpu.memory_space<vmem>>) semaphore(%run_scoped3A_131 : memref<!tpu.dma_semaphore, #tpu.memory_space<semaphore_mem>>) {add = true}
        %dma_wait3A_138 = arith.constant 0 : i32
        %dma_wait3A_139 = tpu.memref_slice %arg8[%mul3A_66, %dma_wait3A_138] : memref<40x125xi32, #tpu.memory_space<vmem>> -> memref<1x125xi32, #tpu.memory_space<vmem>>
        %dma_wait3A_140 = tpu.memref_squeeze %dma_wait3A_139 : memref<1x125xi32, #tpu.memory_space<vmem>> -> memref<125xi32, #tpu.memory_space<vmem>>
        %dma_wait3A_141 = arith.constant 0 : i32
        %dma_wait3A_142 = arith.constant 0 : i32
        %dma_wait3A_143 = tpu.memref_slice %arg6[%dma_wait3A_141, %dma_wait3A_142] : memref<10240x128xf32, #tpu.memory_space<vmem_shared>> -> memref<10240x128xf32, #tpu.memory_space<vmem_shared>>
        tpu.wait_indirect_dma semaphore(%run_scoped3A_131 : memref<!tpu.dma_semaphore, #tpu.memory_space<semaphore_mem>>) src(%arg9 : memref<125x128xf32, #tpu.memory_space<vmem>>) dst(%dma_wait3A_143 : memref<10240x128xf32, #tpu.memory_space<vmem_shared>>)
        tpu.yield
      }) : () -> ()
      %dma_wait3A_106 = arith.constant 0 : i32
      %dma_wait3A_107 = arith.constant 0 : i32
      %dma_wait3A_108 = tpu.memref_slice %arg10[%dma_wait3A_106, %dma_wait3A_107] : memref<125x128xf32, #tpu.memory_space<vmem>> -> memref<64x128xf32, #tpu.memory_space<vmem>>
      %dma_wait3A_109 = arith.constant 0 : i32
      %dma_wait3A_110 = tpu.memref_slice %arg7[%add3A_70, %dma_wait3A_109] : memref<40x125xi32, #tpu.memory_space<vmem>> -> memref<1x64xi32, #tpu.memory_space<vmem>>
      %dma_wait3A_111 = tpu.memref_squeeze %dma_wait3A_110 : memref<1x64xi32, #tpu.memory_space<vmem>> -> memref<64xi32, #tpu.memory_space<vmem>>
      %dma_wait3A_112 = arith.constant 0 : i32
      %dma_wait3A_113 = arith.constant 0 : i32
      %dma_wait3A_114 = tpu.memref_slice %arg2[%dma_wait3A_112, %dma_wait3A_113] : memref<10240x128xf32, #tpu.memory_space<hbm>> -> memref<10240x128xf32, #tpu.memory_space<hbm>>
      tpu.wait_indirect_dma semaphore(%arg12 : memref<!tpu.dma_semaphore, #tpu.memory_space<semaphore_mem>>) src(%dma_wait3A_114 : memref<10240x128xf32, #tpu.memory_space<hbm>>) dst(%dma_wait3A_108 : memref<64x128xf32, #tpu.memory_space<vmem>>)
      %dma_wait3A_115 = arith.constant 64 : i32
      %dma_wait3A_116 = arith.constant 0 : i32
      %dma_wait3A_117 = tpu.memref_slice %arg10[%dma_wait3A_115, %dma_wait3A_116] : memref<125x128xf32, #tpu.memory_space<vmem>> -> memref<61x128xf32, #tpu.memory_space<vmem>>
      %dma_wait3A_118 = arith.constant 64 : i32
      %dma_wait3A_119 = tpu.memref_slice %arg7[%add3A_70, %dma_wait3A_118] : memref<40x125xi32, #tpu.memory_space<vmem>> -> memref<1x61xi32, #tpu.memory_space<vmem>>
      %dma_wait3A_120 = tpu.memref_squeeze %dma_wait3A_119 : memref<1x61xi32, #tpu.memory_space<vmem>> -> memref<61xi32, #tpu.memory_space<vmem>>
      %dma_wait3A_121 = arith.constant 0 : i32
      %dma_wait3A_122 = arith.constant 0 : i32
      %dma_wait3A_123 = tpu.memref_slice %arg2[%dma_wait3A_121, %dma_wait3A_122] : memref<10240x128xf32, #tpu.memory_space<hbm>> -> memref<10240x128xf32, #tpu.memory_space<hbm>>
      tpu.wait_indirect_dma semaphore(%arg12 : memref<!tpu.dma_semaphore, #tpu.memory_space<semaphore_mem>>) src(%dma_wait3A_123 : memref<10240x128xf32, #tpu.memory_space<hbm>>) dst(%dma_wait3A_117 : memref<61x128xf32, #tpu.memory_space<vmem>>)
      %add3A_124 = arith.constant 1 : i32
      %add3A_125 = arith.addi %scan3A_64, %add3A_124 : i32
      %lt3A_126 = arith.constant 20 : i32
      %lt3A_127 = arith.cmpi slt, %add3A_125, %lt3A_126 : i32
      %convert_element_type3A_128 = arith.extui %lt3A_127 : i1 to i32
      %cond3A_129 = arith.constant 0 : i32
      %cond3A_130 = arith.cmpi ne, %convert_element_type3A_128, %cond3A_129 : i32
      scf.if %cond3A_130 {
        %add3A_131 = arith.constant 2 : i32
        %add3A_132 = arith.addi %mul3A_66, %add3A_131 : i32
        %dma_start3A_133 = arith.constant 0 : i32
        %dma_start3A_134 = arith.constant 0 : i32
        %dma_start3A_135 = tpu.memref_slice %arg9[%dma_start3A_133, %dma_start3A_134] : memref<125x128xf32, #tpu.memory_space<vmem>> -> memref<64x128xf32, #tpu.memory_space<vmem>>
        %dma_start3A_136 = arith.constant 0 : i32
        %dma_start3A_137 = tpu.memref_slice %arg7[%add3A_132, %dma_start3A_136] : memref<40x125xi32, #tpu.memory_space<vmem>> -> memref<1x64xi32, #tpu.memory_space<vmem>>
        %dma_start3A_138 = tpu.memref_squeeze %dma_start3A_137 : memref<1x64xi32, #tpu.memory_space<vmem>> -> memref<64xi32, #tpu.memory_space<vmem>>
        %dma_start3A_139 = arith.constant 0 : i32
        %dma_start3A_140 = arith.constant 0 : i32
        %dma_start3A_141 = tpu.memref_slice %arg2[%dma_start3A_139, %dma_start3A_140] : memref<10240x128xf32, #tpu.memory_space<hbm>> -> memref<10240x128xf32, #tpu.memory_space<hbm>>
        tpu.enqueue_indirect_dma source(%dma_start3A_141 : memref<10240x128xf32, #tpu.memory_space<hbm>>) target(%dma_start3A_135 : memref<64x128xf32, #tpu.memory_space<vmem>>) offsets(%dma_start3A_138 : memref<64xi32, #tpu.memory_space<vmem>>) semaphore(%arg11 : memref<!tpu.dma_semaphore, #tpu.memory_space<semaphore_mem>>)
        %dma_start3A_142 = arith.constant 64 : i32
        %dma_start3A_143 = arith.constant 0 : i32
        %dma_start3A_144 = tpu.memref_slice %arg9[%dma_start3A_142, %dma_start3A_143] : memref<125x128xf32, #tpu.memory_space<vmem>> -> memref<61x128xf32, #tpu.memory_space<vmem>>
        %dma_start3A_145 = arith.constant 64 : i32
        %dma_start3A_146 = tpu.memref_slice %arg7[%add3A_132, %dma_start3A_145] : memref<40x125xi32, #tpu.memory_space<vmem>> -> memref<1x61xi32, #tpu.memory_space<vmem>>
        %dma_start3A_147 = tpu.memref_squeeze %dma_start3A_146 : memref<1x61xi32, #tpu.memory_space<vmem>> -> memref<61xi32, #tpu.memory_space<vmem>>
        %dma_start3A_148 = arith.constant 0 : i32
        %dma_start3A_149 = arith.constant 0 : i32
        %dma_start3A_150 = tpu.memref_slice %arg2[%dma_start3A_148, %dma_start3A_149] : memref<10240x128xf32, #tpu.memory_space<hbm>> -> memref<10240x128xf32, #tpu.memory_space<hbm>>
        tpu.enqueue_indirect_dma source(%dma_start3A_150 : memref<10240x128xf32, #tpu.memory_space<hbm>>) target(%dma_start3A_144 : memref<61x128xf32, #tpu.memory_space<vmem>>) offsets(%dma_start3A_147 : memref<61xi32, #tpu.memory_space<vmem>>) semaphore(%arg11 : memref<!tpu.dma_semaphore, #tpu.memory_space<semaphore_mem>>)
      } else {
      }
      "tpu.region"() ({
        %run_scoped3A_131 = tpu.sem_alloc : memref<!tpu.dma_semaphore, #tpu.memory_space<semaphore_mem>>
        %dma_start3A_132 = arith.constant 0 : i32
        %dma_start3A_133 = tpu.memref_slice %arg8[%add3A_70, %dma_start3A_132] : memref<40x125xi32, #tpu.memory_space<vmem>> -> memref<1x125xi32, #tpu.memory_space<vmem>>
        %dma_start3A_134 = tpu.memref_squeeze %dma_start3A_133 : memref<1x125xi32, #tpu.memory_space<vmem>> -> memref<125xi32, #tpu.memory_space<vmem>>
        %dma_start3A_135 = arith.constant 0 : i32
        %dma_start3A_136 = arith.constant 0 : i32
        %dma_start3A_137 = tpu.memref_slice %arg6[%dma_start3A_135, %dma_start3A_136] : memref<10240x128xf32, #tpu.memory_space<vmem_shared>> -> memref<10240x128xf32, #tpu.memory_space<vmem_shared>>
        tpu.enqueue_indirect_dma source(%arg10 : memref<125x128xf32, #tpu.memory_space<vmem>>) target(%dma_start3A_137 : memref<10240x128xf32, #tpu.memory_space<vmem_shared>>) offsets(%dma_start3A_134 : memref<125xi32, #tpu.memory_space<vmem>>) semaphore(%run_scoped3A_131 : memref<!tpu.dma_semaphore, #tpu.memory_space<semaphore_mem>>) {add = true}
        %dma_wait3A_138 = arith.constant 0 : i32
        %dma_wait3A_139 = tpu.memref_slice %arg8[%add3A_70, %dma_wait3A_138] : memref<40x125xi32, #tpu.memory_space<vmem>> -> memref<1x125xi32, #tpu.memory_space<vmem>>
        %dma_wait3A_140 = tpu.memref_squeeze %dma_wait3A_139 : memref<1x125xi32, #tpu.memory_space<vmem>> -> memref<125xi32, #tpu.memory_space<vmem>>
        %dma_wait3A_141 = arith.constant 0 : i32
        %dma_wait3A_142 = arith.constant 0 : i32
        %dma_wait3A_143 = tpu.memref_slice %arg6[%dma_wait3A_141, %dma_wait3A_142] : memref<10240x128xf32, #tpu.memory_space<vmem_shared>> -> memref<10240x128xf32, #tpu.memory_space<vmem_shared>>
        tpu.wait_indirect_dma semaphore(%run_scoped3A_131 : memref<!tpu.dma_semaphore, #tpu.memory_space<semaphore_mem>>) src(%arg10 : memref<125x128xf32, #tpu.memory_space<vmem>>) dst(%dma_wait3A_143 : memref<10240x128xf32, #tpu.memory_space<vmem_shared>>)
        tpu.yield
      }) : () -> ()
    }
    %scan3A_34 = arith.constant 20 : i32
    %run_scoped3A_35 = arith.constant 1 : i32
    "tpu.region"() ({
      %run_scoped3A_64 = tpu.sem_alloc : memref<!tpu.dma_semaphore, #tpu.memory_space<semaphore_mem>>
      %dma_start3A_65 = arith.constant 0 : i32
      %dma_start3A_66 = arith.constant 0 : i32
      %dma_start3A_67 = tpu.memref_slice %arg3[%add3A, %run_scoped3A_35, %dma_start3A_65, %dma_start3A_66] : memref<32x2x40x125xi32, #tpu.memory_space<hbm>> -> memref<1x1x40x125xi32, #tpu.memory_space<hbm>>
      %dma_start3A_68 = tpu.memref_squeeze %dma_start3A_67 : memref<1x1x40x125xi32, #tpu.memory_space<hbm>> -> memref<40x125xi32, #tpu.memory_space<hbm>>
      %dma_start3A_69 = arith.constant 0 : i32
      %dma_start3A_70 = arith.constant 0 : i32
      %dma_start3A_71 = tpu.memref_slice %arg3[%add3A, %run_scoped3A_35, %dma_start3A_69, %dma_start3A_70] : memref<32x2x40x125xi32, #tpu.memory_space<hbm>> -> memref<1x1x40x125xi32, #tpu.memory_space<hbm>>
      %dma_start3A_72 = tpu.memref_squeeze %dma_start3A_71 : memref<1x1x40x125xi32, #tpu.memory_space<hbm>> -> memref<40x125xi32, #tpu.memory_space<hbm>>
      tpu.enqueue_dma source(%dma_start3A_72 : memref<40x125xi32, #tpu.memory_space<hbm>>) target(%arg7 : memref<40x125xi32, #tpu.memory_space<vmem>>) target_semaphore(%run_scoped3A_64 : memref<!tpu.dma_semaphore, #tpu.memory_space<semaphore_mem>>)
      %dma_wait3A = arith.constant 0 : i32
      %dma_wait3A_73 = arith.constant 0 : i32
      %dma_wait3A_74 = tpu.memref_slice %arg3[%add3A, %run_scoped3A_35, %dma_wait3A, %dma_wait3A_73] : memref<32x2x40x125xi32, #tpu.memory_space<hbm>> -> memref<1x1x40x125xi32, #tpu.memory_space<hbm>>
      %dma_wait3A_75 = tpu.memref_squeeze %dma_wait3A_74 : memref<1x1x40x125xi32, #tpu.memory_space<hbm>> -> memref<40x125xi32, #tpu.memory_space<hbm>>
      %dma_wait3A_76 = arith.constant 0 : i32
      %dma_wait3A_77 = arith.constant 0 : i32
      %dma_wait3A_78 = tpu.memref_slice %arg3[%add3A, %run_scoped3A_35, %dma_wait3A_76, %dma_wait3A_77] : memref<32x2x40x125xi32, #tpu.memory_space<hbm>> -> memref<1x1x40x125xi32, #tpu.memory_space<hbm>>
      %dma_wait3A_79 = tpu.memref_squeeze %dma_wait3A_78 : memref<1x1x40x125xi32, #tpu.memory_space<hbm>> -> memref<40x125xi32, #tpu.memory_space<hbm>>
      tpu.wait_dma2 semaphore(%run_scoped3A_64 : memref<!tpu.dma_semaphore, #tpu.memory_space<semaphore_mem>>) src(%dma_wait3A_79 : memref<40x125xi32, #tpu.memory_space<hbm>>) dst(%arg7 : memref<40x125xi32, #tpu.memory_space<vmem>>)
      tpu.yield
    }) : () -> ()
    %run_scoped3A_36 = arith.constant 1 : i32
    "tpu.region"() ({
      %run_scoped3A_64 = tpu.sem_alloc : memref<!tpu.dma_semaphore, #tpu.memory_space<semaphore_mem>>
      %dma_start3A_65 = arith.constant 0 : i32
      %dma_start3A_66 = arith.constant 0 : i32
      %dma_start3A_67 = tpu.memref_slice %arg4[%add3A, %run_scoped3A_36, %dma_start3A_65, %dma_start3A_66] : memref<32x2x40x125xi32, #tpu.memory_space<hbm>> -> memref<1x1x40x125xi32, #tpu.memory_space<hbm>>
      %dma_start3A_68 = tpu.memref_squeeze %dma_start3A_67 : memref<1x1x40x125xi32, #tpu.memory_space<hbm>> -> memref<40x125xi32, #tpu.memory_space<hbm>>
      %dma_start3A_69 = arith.constant 0 : i32
      %dma_start3A_70 = arith.constant 0 : i32
      %dma_start3A_71 = tpu.memref_slice %arg4[%add3A, %run_scoped3A_36, %dma_start3A_69, %dma_start3A_70] : memref<32x2x40x125xi32, #tpu.memory_space<hbm>> -> memref<1x1x40x125xi32, #tpu.memory_space<hbm>>
      %dma_start3A_72 = tpu.memref_squeeze %dma_start3A_71 : memref<1x1x40x125xi32, #tpu.memory_space<hbm>> -> memref<40x125xi32, #tpu.memory_space<hbm>>
      tpu.enqueue_dma source(%dma_start3A_72 : memref<40x125xi32, #tpu.memory_space<hbm>>) target(%arg8 : memref<40x125xi32, #tpu.memory_space<vmem>>) target_semaphore(%run_scoped3A_64 : memref<!tpu.dma_semaphore, #tpu.memory_space<semaphore_mem>>)
      %dma_wait3A = arith.constant 0 : i32
      %dma_wait3A_73 = arith.constant 0 : i32
      %dma_wait3A_74 = tpu.memref_slice %arg4[%add3A, %run_scoped3A_36, %dma_wait3A, %dma_wait3A_73] : memref<32x2x40x125xi32, #tpu.memory_space<hbm>> -> memref<1x1x40x125xi32, #tpu.memory_space<hbm>>
      %dma_wait3A_75 = tpu.memref_squeeze %dma_wait3A_74 : memref<1x1x40x125xi32, #tpu.memory_space<hbm>> -> memref<40x125xi32, #tpu.memory_space<hbm>>
      %dma_wait3A_76 = arith.constant 0 : i32
      %dma_wait3A_77 = arith.constant 0 : i32
      %dma_wait3A_78 = tpu.memref_slice %arg4[%add3A, %run_scoped3A_36, %dma_wait3A_76, %dma_wait3A_77] : memref<32x2x40x125xi32, #tpu.memory_space<hbm>> -> memref<1x1x40x125xi32, #tpu.memory_space<hbm>>
      %dma_wait3A_79 = tpu.memref_squeeze %dma_wait3A_78 : memref<1x1x40x125xi32, #tpu.memory_space<hbm>> -> memref<40x125xi32, #tpu.memory_space<hbm>>
      tpu.wait_dma2 semaphore(%run_scoped3A_64 : memref<!tpu.dma_semaphore, #tpu.memory_space<semaphore_mem>>) src(%dma_wait3A_79 : memref<40x125xi32, #tpu.memory_space<hbm>>) dst(%arg8 : memref<40x125xi32, #tpu.memory_space<vmem>>)
      tpu.yield
    }) : () -> ()
    %dma_start3A_37 = arith.constant 0 : i32
    %dma_start3A_38 = arith.constant 0 : i32
    %dma_start3A_39 = arith.constant 0 : i32
    %dma_start3A_40 = tpu.memref_slice %arg9[%dma_start3A_38, %dma_start3A_39] : memref<125x128xf32, #tpu.memory_space<vmem>> -> memref<64x128xf32, #tpu.memory_space<vmem>>
    %dma_start3A_41 = arith.constant 0 : i32
    %dma_start3A_42 = tpu.memref_slice %arg7[%dma_start3A_37, %dma_start3A_41] : memref<40x125xi32, #tpu.memory_space<vmem>> -> memref<1x64xi32, #tpu.memory_space<vmem>>
    %dma_start3A_43 = tpu.memref_squeeze %dma_start3A_42 : memref<1x64xi32, #tpu.memory_space<vmem>> -> memref<64xi32, #tpu.memory_space<vmem>>
    %dma_start3A_44 = arith.constant 0 : i32
    %dma_start3A_45 = arith.constant 0 : i32
    %dma_start3A_46 = tpu.memref_slice %arg2[%dma_start3A_44, %dma_start3A_45] : memref<10240x128xf32, #tpu.memory_space<hbm>> -> memref<10240x128xf32, #tpu.memory_space<hbm>>
    tpu.enqueue_indirect_dma source(%dma_start3A_46 : memref<10240x128xf32, #tpu.memory_space<hbm>>) target(%dma_start3A_40 : memref<64x128xf32, #tpu.memory_space<vmem>>) offsets(%dma_start3A_43 : memref<64xi32, #tpu.memory_space<vmem>>) semaphore(%arg11 : memref<!tpu.dma_semaphore, #tpu.memory_space<semaphore_mem>>)
    %dma_start3A_47 = arith.constant 0 : i32
    %dma_start3A_48 = arith.constant 64 : i32
    %dma_start3A_49 = arith.constant 0 : i32
    %dma_start3A_50 = tpu.memref_slice %arg9[%dma_start3A_48, %dma_start3A_49] : memref<125x128xf32, #tpu.memory_space<vmem>> -> memref<61x128xf32, #tpu.memory_space<vmem>>
    %dma_start3A_51 = arith.constant 64 : i32
    %dma_start3A_52 = tpu.memref_slice %arg7[%dma_start3A_47, %dma_start3A_51] : memref<40x125xi32, #tpu.memory_space<vmem>> -> memref<1x61xi32, #tpu.memory_space<vmem>>
    %dma_start3A_53 = tpu.memref_squeeze %dma_start3A_52 : memref<1x61xi32, #tpu.memory_space<vmem>> -> memref<61xi32, #tpu.memory_space<vmem>>
    %dma_start3A_54 = arith.constant 0 : i32
    %dma_start3A_55 = arith.constant 0 : i32
    %dma_start3A_56 = tpu.memref_slice %arg2[%dma_start3A_54, %dma_start3A_55] : memref<10240x128xf32, #tpu.memory_space<hbm>> -> memref<10240x128xf32, #tpu.memory_space<hbm>>
    tpu.enqueue_indirect_dma source(%dma_start3A_56 : memref<10240x128xf32, #tpu.memory_space<hbm>>) target(%dma_start3A_50 : memref<61x128xf32, #tpu.memory_space<vmem>>) offsets(%dma_start3A_53 : memref<61xi32, #tpu.memory_space<vmem>>) semaphore(%arg11 : memref<!tpu.dma_semaphore, #tpu.memory_space<semaphore_mem>>)
    %scan3A_57 = arith.constant 0 : i32
    %scan3A_58 = arith.constant 0 : i32
    %scan3A_59 = arith.constant 20 : i32
    %scan3A_60 = arith.addi %scan3A_58, %scan3A_59 : i32
    %scan3A_61 = arith.constant 1 : i32
    scf.for %scan3A_64 = %scan3A_58 to %scan3A_60 step %scan3A_61  : i32 {
      %mul3A_65 = arith.constant 2 : i32
      %mul3A_66 = arith.muli %mul3A_65, %scan3A_64 : i32
      %mul3A_67 = arith.constant 2 : i32
      %mul3A_68 = arith.muli %mul3A_67, %scan3A_64 : i32
      %add3A_69 = arith.constant 1 : i32
      %add3A_70 = arith.addi %mul3A_68, %add3A_69 : i32
      %dma_wait3A = arith.constant 0 : i32
      %dma_wait3A_71 = arith.constant 0 : i32
      %dma_wait3A_72 = tpu.memref_slice %arg9[%dma_wait3A, %dma_wait3A_71] : memref<125x128xf32, #tpu.memory_space<vmem>> -> memref<64x128xf32, #tpu.memory_space<vmem>>
      %dma_wait3A_73 = arith.constant 0 : i32
      %dma_wait3A_74 = tpu.memref_slice %arg7[%mul3A_66, %dma_wait3A_73] : memref<40x125xi32, #tpu.memory_space<vmem>> -> memref<1x64xi32, #tpu.memory_space<vmem>>
      %dma_wait3A_75 = tpu.memref_squeeze %dma_wait3A_74 : memref<1x64xi32, #tpu.memory_space<vmem>> -> memref<64xi32, #tpu.memory_space<vmem>>
      %dma_wait3A_76 = arith.constant 0 : i32
      %dma_wait3A_77 = arith.constant 0 : i32
      %dma_wait3A_78 = tpu.memref_slice %arg2[%dma_wait3A_76, %dma_wait3A_77] : memref<10240x128xf32, #tpu.memory_space<hbm>> -> memref<10240x128xf32, #tpu.memory_space<hbm>>
      tpu.wait_indirect_dma semaphore(%arg11 : memref<!tpu.dma_semaphore, #tpu.memory_space<semaphore_mem>>) src(%dma_wait3A_78 : memref<10240x128xf32, #tpu.memory_space<hbm>>) dst(%dma_wait3A_72 : memref<64x128xf32, #tpu.memory_space<vmem>>)
      %dma_wait3A_79 = arith.constant 64 : i32
      %dma_wait3A_80 = arith.constant 0 : i32
      %dma_wait3A_81 = tpu.memref_slice %arg9[%dma_wait3A_79, %dma_wait3A_80] : memref<125x128xf32, #tpu.memory_space<vmem>> -> memref<61x128xf32, #tpu.memory_space<vmem>>
      %dma_wait3A_82 = arith.constant 64 : i32
      %dma_wait3A_83 = tpu.memref_slice %arg7[%mul3A_66, %dma_wait3A_82] : memref<40x125xi32, #tpu.memory_space<vmem>> -> memref<1x61xi32, #tpu.memory_space<vmem>>
      %dma_wait3A_84 = tpu.memref_squeeze %dma_wait3A_83 : memref<1x61xi32, #tpu.memory_space<vmem>> -> memref<61xi32, #tpu.memory_space<vmem>>
      %dma_wait3A_85 = arith.constant 0 : i32
      %dma_wait3A_86 = arith.constant 0 : i32
      %dma_wait3A_87 = tpu.memref_slice %arg2[%dma_wait3A_85, %dma_wait3A_86] : memref<10240x128xf32, #tpu.memory_space<hbm>> -> memref<10240x128xf32, #tpu.memory_space<hbm>>
      tpu.wait_indirect_dma semaphore(%arg11 : memref<!tpu.dma_semaphore, #tpu.memory_space<semaphore_mem>>) src(%dma_wait3A_87 : memref<10240x128xf32, #tpu.memory_space<hbm>>) dst(%dma_wait3A_81 : memref<61x128xf32, #tpu.memory_space<vmem>>)
      %dma_start3A_88 = arith.constant 0 : i32
      %dma_start3A_89 = arith.constant 0 : i32
      %dma_start3A_90 = tpu.memref_slice %arg10[%dma_start3A_88, %dma_start3A_89] : memref<125x128xf32, #tpu.memory_space<vmem>> -> memref<64x128xf32, #tpu.memory_space<vmem>>
      %dma_start3A_91 = arith.constant 0 : i32
      %dma_start3A_92 = tpu.memref_slice %arg7[%add3A_70, %dma_start3A_91] : memref<40x125xi32, #tpu.memory_space<vmem>> -> memref<1x64xi32, #tpu.memory_space<vmem>>
      %dma_start3A_93 = tpu.memref_squeeze %dma_start3A_92 : memref<1x64xi32, #tpu.memory_space<vmem>> -> memref<64xi32, #tpu.memory_space<vmem>>
      %dma_start3A_94 = arith.constant 0 : i32
      %dma_start3A_95 = arith.constant 0 : i32
      %dma_start3A_96 = tpu.memref_slice %arg2[%dma_start3A_94, %dma_start3A_95] : memref<10240x128xf32, #tpu.memory_space<hbm>> -> memref<10240x128xf32, #tpu.memory_space<hbm>>
      tpu.enqueue_indirect_dma source(%dma_start3A_96 : memref<10240x128xf32, #tpu.memory_space<hbm>>) target(%dma_start3A_90 : memref<64x128xf32, #tpu.memory_space<vmem>>) offsets(%dma_start3A_93 : memref<64xi32, #tpu.memory_space<vmem>>) semaphore(%arg12 : memref<!tpu.dma_semaphore, #tpu.memory_space<semaphore_mem>>)
      %dma_start3A_97 = arith.constant 64 : i32
      %dma_start3A_98 = arith.constant 0 : i32
      %dma_start3A_99 = tpu.memref_slice %arg10[%dma_start3A_97, %dma_start3A_98] : memref<125x128xf32, #tpu.memory_space<vmem>> -> memref<61x128xf32, #tpu.memory_space<vmem>>
      %dma_start3A_100 = arith.constant 64 : i32
      %dma_start3A_101 = tpu.memref_slice %arg7[%add3A_70, %dma_start3A_100] : memref<40x125xi32, #tpu.memory_space<vmem>> -> memref<1x61xi32, #tpu.memory_space<vmem>>
      %dma_start3A_102 = tpu.memref_squeeze %dma_start3A_101 : memref<1x61xi32, #tpu.memory_space<vmem>> -> memref<61xi32, #tpu.memory_space<vmem>>
      %dma_start3A_103 = arith.constant 0 : i32
      %dma_start3A_104 = arith.constant 0 : i32
      %dma_start3A_105 = tpu.memref_slice %arg2[%dma_start3A_103, %dma_start3A_104] : memref<10240x128xf32, #tpu.memory_space<hbm>> -> memref<10240x128xf32, #tpu.memory_space<hbm>>
      tpu.enqueue_indirect_dma source(%dma_start3A_105 : memref<10240x128xf32, #tpu.memory_space<hbm>>) target(%dma_start3A_99 : memref<61x128xf32, #tpu.memory_space<vmem>>) offsets(%dma_start3A_102 : memref<61xi32, #tpu.memory_space<vmem>>) semaphore(%arg12 : memref<!tpu.dma_semaphore, #tpu.memory_space<semaphore_mem>>)
      "tpu.region"() ({
        %run_scoped3A_131 = tpu.sem_alloc : memref<!tpu.dma_semaphore, #tpu.memory_space<semaphore_mem>>
        %dma_start3A_132 = arith.constant 0 : i32
        %dma_start3A_133 = tpu.memref_slice %arg8[%mul3A_66, %dma_start3A_132] : memref<40x125xi32, #tpu.memory_space<vmem>> -> memref<1x125xi32, #tpu.memory_space<vmem>>
        %dma_start3A_134 = tpu.memref_squeeze %dma_start3A_133 : memref<1x125xi32, #tpu.memory_space<vmem>> -> memref<125xi32, #tpu.memory_space<vmem>>
        %dma_start3A_135 = arith.constant 0 : i32
        %dma_start3A_136 = arith.constant 0 : i32
        %dma_start3A_137 = tpu.memref_slice %arg6[%dma_start3A_135, %dma_start3A_136] : memref<10240x128xf32, #tpu.memory_space<vmem_shared>> -> memref<10240x128xf32, #tpu.memory_space<vmem_shared>>
        tpu.enqueue_indirect_dma source(%arg9 : memref<125x128xf32, #tpu.memory_space<vmem>>) target(%dma_start3A_137 : memref<10240x128xf32, #tpu.memory_space<vmem_shared>>) offsets(%dma_start3A_134 : memref<125xi32, #tpu.memory_space<vmem>>) semaphore(%run_scoped3A_131 : memref<!tpu.dma_semaphore, #tpu.memory_space<semaphore_mem>>) {add = true}
        %dma_wait3A_138 = arith.constant 0 : i32
        %dma_wait3A_139 = tpu.memref_slice %arg8[%mul3A_66, %dma_wait3A_138] : memref<40x125xi32, #tpu.memory_space<vmem>> -> memref<1x125xi32, #tpu.memory_space<vmem>>
        %dma_wait3A_140 = tpu.memref_squeeze %dma_wait3A_139 : memref<1x125xi32, #tpu.memory_space<vmem>> -> memref<125xi32, #tpu.memory_space<vmem>>
        %dma_wait3A_141 = arith.constant 0 : i32
        %dma_wait3A_142 = arith.constant 0 : i32
        %dma_wait3A_143 = tpu.memref_slice %arg6[%dma_wait3A_141, %dma_wait3A_142] : memref<10240x128xf32, #tpu.memory_space<vmem_shared>> -> memref<10240x128xf32, #tpu.memory_space<vmem_shared>>
        tpu.wait_indirect_dma semaphore(%run_scoped3A_131 : memref<!tpu.dma_semaphore, #tpu.memory_space<semaphore_mem>>) src(%arg9 : memref<125x128xf32, #tpu.memory_space<vmem>>) dst(%dma_wait3A_143 : memref<10240x128xf32, #tpu.memory_space<vmem_shared>>)
        tpu.yield
      }) : () -> ()
      %dma_wait3A_106 = arith.constant 0 : i32
      %dma_wait3A_107 = arith.constant 0 : i32
      %dma_wait3A_108 = tpu.memref_slice %arg10[%dma_wait3A_106, %dma_wait3A_107] : memref<125x128xf32, #tpu.memory_space<vmem>> -> memref<64x128xf32, #tpu.memory_space<vmem>>
      %dma_wait3A_109 = arith.constant 0 : i32
      %dma_wait3A_110 = tpu.memref_slice %arg7[%add3A_70, %dma_wait3A_109] : memref<40x125xi32, #tpu.memory_space<vmem>> -> memref<1x64xi32, #tpu.memory_space<vmem>>
      %dma_wait3A_111 = tpu.memref_squeeze %dma_wait3A_110 : memref<1x64xi32, #tpu.memory_space<vmem>> -> memref<64xi32, #tpu.memory_space<vmem>>
      %dma_wait3A_112 = arith.constant 0 : i32
      %dma_wait3A_113 = arith.constant 0 : i32
      %dma_wait3A_114 = tpu.memref_slice %arg2[%dma_wait3A_112, %dma_wait3A_113] : memref<10240x128xf32, #tpu.memory_space<hbm>> -> memref<10240x128xf32, #tpu.memory_space<hbm>>
      tpu.wait_indirect_dma semaphore(%arg12 : memref<!tpu.dma_semaphore, #tpu.memory_space<semaphore_mem>>) src(%dma_wait3A_114 : memref<10240x128xf32, #tpu.memory_space<hbm>>) dst(%dma_wait3A_108 : memref<64x128xf32, #tpu.memory_space<vmem>>)
      %dma_wait3A_115 = arith.constant 64 : i32
      %dma_wait3A_116 = arith.constant 0 : i32
      %dma_wait3A_117 = tpu.memref_slice %arg10[%dma_wait3A_115, %dma_wait3A_116] : memref<125x128xf32, #tpu.memory_space<vmem>> -> memref<61x128xf32, #tpu.memory_space<vmem>>
      %dma_wait3A_118 = arith.constant 64 : i32
      %dma_wait3A_119 = tpu.memref_slice %arg7[%add3A_70, %dma_wait3A_118] : memref<40x125xi32, #tpu.memory_space<vmem>> -> memref<1x61xi32, #tpu.memory_space<vmem>>
      %dma_wait3A_120 = tpu.memref_squeeze %dma_wait3A_119 : memref<1x61xi32, #tpu.memory_space<vmem>> -> memref<61xi32, #tpu.memory_space<vmem>>
      %dma_wait3A_121 = arith.constant 0 : i32
      %dma_wait3A_122 = arith.constant 0 : i32
      %dma_wait3A_123 = tpu.memref_slice %arg2[%dma_wait3A_121, %dma_wait3A_122] : memref<10240x128xf32, #tpu.memory_space<hbm>> -> memref<10240x128xf32, #tpu.memory_space<hbm>>
      tpu.wait_indirect_dma semaphore(%arg12 : memref<!tpu.dma_semaphore, #tpu.memory_space<semaphore_mem>>) src(%dma_wait3A_123 : memref<10240x128xf32, #tpu.memory_space<hbm>>) dst(%dma_wait3A_117 : memref<61x128xf32, #tpu.memory_space<vmem>>)
      %add3A_124 = arith.constant 1 : i32
      %add3A_125 = arith.addi %scan3A_64, %add3A_124 : i32
      %lt3A_126 = arith.constant 20 : i32
      %lt3A_127 = arith.cmpi slt, %add3A_125, %lt3A_126 : i32
      %convert_element_type3A_128 = arith.extui %lt3A_127 : i1 to i32
      %cond3A_129 = arith.constant 0 : i32
      %cond3A_130 = arith.cmpi ne, %convert_element_type3A_128, %cond3A_129 : i32
      scf.if %cond3A_130 {
        %add3A_131 = arith.constant 2 : i32
        %add3A_132 = arith.addi %mul3A_66, %add3A_131 : i32
        %dma_start3A_133 = arith.constant 0 : i32
        %dma_start3A_134 = arith.constant 0 : i32
        %dma_start3A_135 = tpu.memref_slice %arg9[%dma_start3A_133, %dma_start3A_134] : memref<125x128xf32, #tpu.memory_space<vmem>> -> memref<64x128xf32, #tpu.memory_space<vmem>>
        %dma_start3A_136 = arith.constant 0 : i32
        %dma_start3A_137 = tpu.memref_slice %arg7[%add3A_132, %dma_start3A_136] : memref<40x125xi32, #tpu.memory_space<vmem>> -> memref<1x64xi32, #tpu.memory_space<vmem>>
        %dma_start3A_138 = tpu.memref_squeeze %dma_start3A_137 : memref<1x64xi32, #tpu.memory_space<vmem>> -> memref<64xi32, #tpu.memory_space<vmem>>
        %dma_start3A_139 = arith.constant 0 : i32
        %dma_start3A_140 = arith.constant 0 : i32
        %dma_start3A_141 = tpu.memref_slice %arg2[%dma_start3A_139, %dma_start3A_140] : memref<10240x128xf32, #tpu.memory_space<hbm>> -> memref<10240x128xf32, #tpu.memory_space<hbm>>
        tpu.enqueue_indirect_dma source(%dma_start3A_141 : memref<10240x128xf32, #tpu.memory_space<hbm>>) target(%dma_start3A_135 : memref<64x128xf32, #tpu.memory_space<vmem>>) offsets(%dma_start3A_138 : memref<64xi32, #tpu.memory_space<vmem>>) semaphore(%arg11 : memref<!tpu.dma_semaphore, #tpu.memory_space<semaphore_mem>>)
        %dma_start3A_142 = arith.constant 64 : i32
        %dma_start3A_143 = arith.constant 0 : i32
        %dma_start3A_144 = tpu.memref_slice %arg9[%dma_start3A_142, %dma_start3A_143] : memref<125x128xf32, #tpu.memory_space<vmem>> -> memref<61x128xf32, #tpu.memory_space<vmem>>
        %dma_start3A_145 = arith.constant 64 : i32
        %dma_start3A_146 = tpu.memref_slice %arg7[%add3A_132, %dma_start3A_145] : memref<40x125xi32, #tpu.memory_space<vmem>> -> memref<1x61xi32, #tpu.memory_space<vmem>>
        %dma_start3A_147 = tpu.memref_squeeze %dma_start3A_146 : memref<1x61xi32, #tpu.memory_space<vmem>> -> memref<61xi32, #tpu.memory_space<vmem>>
        %dma_start3A_148 = arith.constant 0 : i32
        %dma_start3A_149 = arith.constant 0 : i32
        %dma_start3A_150 = tpu.memref_slice %arg2[%dma_start3A_148, %dma_start3A_149] : memref<10240x128xf32, #tpu.memory_space<hbm>> -> memref<10240x128xf32, #tpu.memory_space<hbm>>
        tpu.enqueue_indirect_dma source(%dma_start3A_150 : memref<10240x128xf32, #tpu.memory_space<hbm>>) target(%dma_start3A_144 : memref<61x128xf32, #tpu.memory_space<vmem>>) offsets(%dma_start3A_147 : memref<61xi32, #tpu.memory_space<vmem>>) semaphore(%arg11 : memref<!tpu.dma_semaphore, #tpu.memory_space<semaphore_mem>>)
      } else {
      }
      "tpu.region"() ({
        %run_scoped3A_131 = tpu.sem_alloc : memref<!tpu.dma_semaphore, #tpu.memory_space<semaphore_mem>>
        %dma_start3A_132 = arith.constant 0 : i32
        %dma_start3A_133 = tpu.memref_slice %arg8[%add3A_70, %dma_start3A_132] : memref<40x125xi32, #tpu.memory_space<vmem>> -> memref<1x125xi32, #tpu.memory_space<vmem>>
        %dma_start3A_134 = tpu.memref_squeeze %dma_start3A_133 : memref<1x125xi32, #tpu.memory_space<vmem>> -> memref<125xi32, #tpu.memory_space<vmem>>
        %dma_start3A_135 = arith.constant 0 : i32
        %dma_start3A_136 = arith.constant 0 : i32
        %dma_start3A_137 = tpu.memref_slice %arg6[%dma_start3A_135, %dma_start3A_136] : memref<10240x128xf32, #tpu.memory_space<vmem_shared>> -> memref<10240x128xf32, #tpu.memory_space<vmem_shared>>
        tpu.enqueue_indirect_dma source(%arg10 : memref<125x128xf32, #tpu.memory_space<vmem>>) target(%dma_start3A_137 : memref<10240x128xf32, #tpu.memory_space<vmem_shared>>) offsets(%dma_start3A_134 : memref<125xi32, #tpu.memory_space<vmem>>) semaphore(%run_scoped3A_131 : memref<!tpu.dma_semaphore, #tpu.memory_space<semaphore_mem>>) {add = true}
        %dma_wait3A_138 = arith.constant 0 : i32
        %dma_wait3A_139 = tpu.memref_slice %arg8[%add3A_70, %dma_wait3A_138] : memref<40x125xi32, #tpu.memory_space<vmem>> -> memref<1x125xi32, #tpu.memory_space<vmem>>
        %dma_wait3A_140 = tpu.memref_squeeze %dma_wait3A_139 : memref<1x125xi32, #tpu.memory_space<vmem>> -> memref<125xi32, #tpu.memory_space<vmem>>
        %dma_wait3A_141 = arith.constant 0 : i32
        %dma_wait3A_142 = arith.constant 0 : i32
        %dma_wait3A_143 = tpu.memref_slice %arg6[%dma_wait3A_141, %dma_wait3A_142] : memref<10240x128xf32, #tpu.memory_space<vmem_shared>> -> memref<10240x128xf32, #tpu.memory_space<vmem_shared>>
        tpu.wait_indirect_dma semaphore(%run_scoped3A_131 : memref<!tpu.dma_semaphore, #tpu.memory_space<semaphore_mem>>) src(%arg10 : memref<125x128xf32, #tpu.memory_space<vmem>>) dst(%dma_wait3A_143 : memref<10240x128xf32, #tpu.memory_space<vmem_shared>>)
        tpu.yield
      }) : () -> ()
    }
    %scan3A_62 = arith.constant 20 : i32
    %barrier3A_63 = arith.constant 0 : index
    tpu.barrier barrier_id(%barrier3A_63)
    "tpu.region"() ({
      %run_scoped3A_64 = tpu.sem_alloc : memref<!tpu.dma_semaphore, #tpu.memory_space<semaphore_mem>>
      %dma_start3A_65 = arith.constant 0 : i32
      %dma_start3A_66 = tpu.memref_slice %arg5[%arg0, %mul3A_2, %dma_start3A_65] : memref<2x10240x128xf32, #tpu.memory_space<hbm>> -> memref<1x640x128xf32, #tpu.memory_space<hbm>>
      %dma_start3A_67 = tpu.memref_squeeze %dma_start3A_66 : memref<1x640x128xf32, #tpu.memory_space<hbm>> -> memref<640x128xf32, #tpu.memory_space<hbm>>
      %dma_start3A_68 = arith.constant 0 : i32
      %dma_start3A_69 = tpu.memref_slice %arg6[%mul3A_2, %dma_start3A_68] : memref<10240x128xf32, #tpu.memory_space<vmem_shared>> -> memref<640x128xf32, #tpu.memory_space<vmem_shared>>
      tpu.enqueue_dma source(%dma_start3A_69 : memref<640x128xf32, #tpu.memory_space<vmem_shared>>) target(%dma_start3A_67 : memref<640x128xf32, #tpu.memory_space<hbm>>) target_semaphore(%run_scoped3A_64 : memref<!tpu.dma_semaphore, #tpu.memory_space<semaphore_mem>>)
      %dma_wait3A = arith.constant 0 : i32
      %dma_wait3A_70 = tpu.memref_slice %arg5[%arg0, %mul3A_2, %dma_wait3A] : memref<2x10240x128xf32, #tpu.memory_space<hbm>> -> memref<1x640x128xf32, #tpu.memory_space<hbm>>
      %dma_wait3A_71 = tpu.memref_squeeze %dma_wait3A_70 : memref<1x640x128xf32, #tpu.memory_space<hbm>> -> memref<640x128xf32, #tpu.memory_space<hbm>>
      %dma_wait3A_72 = arith.constant 0 : i32
      %dma_wait3A_73 = tpu.memref_slice %arg6[%mul3A_2, %dma_wait3A_72] : memref<10240x128xf32, #tpu.memory_space<vmem_shared>> -> memref<640x128xf32, #tpu.memory_space<vmem_shared>>
      tpu.wait_dma2 semaphore(%run_scoped3A_64 : memref<!tpu.dma_semaphore, #tpu.memory_space<semaphore_mem>>) src(%dma_wait3A_73 : memref<640x128xf32, #tpu.memory_space<vmem_shared>>) dst(%dma_wait3A_71 : memref<640x128xf32, #tpu.memory_space<hbm>>)
      tpu.yield
    }) : () -> ()
    return
  }
}

module attributes {stable_mosaic.version = 14 : i64} {
  func.func @_mm_body(%arg0: i32, %arg1: memref<2000x128xf32, #tpu.memory_space<vmem>>, %arg2: memref<128x128xf32, #tpu.memory_space<vmem>>, %arg3: memref<2x2000x1xf32, #tpu.memory_space<vmem>>, %arg4: memref<2000x128xf32, #tpu.memory_space<vmem>>, %arg5: memref<2000x1xf32, #tpu.memory_space<vmem>>) attributes {dimension_semantics = [#tpu.dimension_semantics<arbitrary>], iteration_bounds = array<i64: 5>, scalar_prefetch = 0 : i64, scratch_operands = 0 : i64, tpu.core_type = #tpu.core_type<tc>, window_params = [{transform_indices = @transform_0, window_bounds = array<i64: 2000, 128>}, {pipeline_mode = #tpu.pipeline_mode<synchronous>, transform_indices = @transform_1, window_bounds = array<i64: 128, 128>}, {transform_indices = @transform_2, window_bounds = array<i64: 2, 2000, 1>}, {transform_indices = @transform_3, window_bounds = array<i64: 2000, 128>}, {transform_indices = @transform_4, window_bounds = array<i64: 2000, 1>}]} {
    %get3A = arith.constant 0 : index
    %get3A_0 = arith.constant 0 : index
    %get3A_1 = arith.constant 0 : index
    %get3A_2 = vector.load %arg3[%get3A, %get3A_0, %get3A_1] : memref<2x2000x1xf32, #tpu.memory_space<vmem>>, vector<2x2000x1xf32>
    %reduce_sum3A = arith.constant dense<0.000000e+00> : vector<2000x1xf32>
    %reduce_sum3A_3 = vector.multi_reduction <add>, %get3A_2, %reduce_sum3A [0] : vector<2x2000x1xf32> to vector<2000x1xf32>
    %add3A = arith.constant 1.000000e+00 : f32
    %add3A_4 = vector.broadcast %add3A : f32 to vector<2000x1xf32>
    %add3A_5 = arith.addf %reduce_sum3A_3, %add3A_4 : vector<2000x1xf32>
    %rsqrt3A = math.rsqrt %add3A_5 : vector<2000x1xf32>
    %get3A_6 = arith.constant 0 : index
    %get3A_7 = arith.constant 0 : index
    %get3A_8 = vector.load %arg1[%get3A_6, %get3A_7] : memref<2000x128xf32, #tpu.memory_space<vmem>>, vector<2000x128xf32>
    %get3A_9 = arith.constant 0 : index
    %get3A_10 = arith.constant 0 : index
    %get3A_11 = vector.load %arg2[%get3A_9, %get3A_10] : memref<128x128xf32, #tpu.memory_space<vmem>>, vector<128x128xf32>
    %dot_general3A = arith.constant dense<0.000000e+00> : vector<2000x128xf32>
    %dot_general3A_12 = tpu.matmul %get3A_8, %get3A_11, %dot_general3A {dimension_numbers = #tpu.dot_dimension_numbers<[1], [0], [0], [1], [0, 0, 1, 1], [], []>, transpose_lhs_hint = false} : vector<2000x128xf32>, vector<128x128xf32>, vector<2000x128xf32> -> vector<2000x128xf32>
    %mul3A = vector.broadcast %rsqrt3A : vector<2000x1xf32> to vector<2000x128xf32>
    %mul3A_13 = arith.mulf %dot_general3A_12, %mul3A : vector<2000x128xf32>
    %swap3A = arith.constant 0 : index
    %swap3A_14 = arith.constant 0 : index
    %swap3A_15 = vector.load %arg4[%swap3A, %swap3A_14] : memref<2000x128xf32, #tpu.memory_space<vmem>>, vector<2000x128xf32>
    tpu.vector_store %arg4[%swap3A, %swap3A_14], %mul3A_13 {strides = array<i32>} : memref<2000x128xf32, #tpu.memory_space<vmem>>, vector<2000x128xf32>,
    %swap3A_16 = arith.constant 0 : index
    %swap3A_17 = arith.constant 0 : index
    %swap3A_18 = vector.load %arg5[%swap3A_16, %swap3A_17] : memref<2000x1xf32, #tpu.memory_space<vmem>>, vector<2000x1xf32>
    tpu.vector_store %arg5[%swap3A_16, %swap3A_17], %rsqrt3A {strides = array<i32>} : memref<2000x1xf32, #tpu.memory_space<vmem>>, vector<2000x1xf32>,
    return
  }
  func.func @transform_0(%arg0: i32) -> (i32, i32) {
    %c0_i32 = arith.constant 0 : i32
    %c0_i32_0 = arith.constant 0 : i32
    return %arg0, %c0_i32 : i32, i32
  }
  func.func @transform_1(%arg0: i32) -> (i32, i32) {
    %c0_i32 = arith.constant 0 : i32
    %c0_i32_0 = arith.constant 0 : i32
    %c0_i32_1 = arith.constant 0 : i32
    return %c0_i32, %c0_i32_0 : i32, i32
  }
  func.func @transform_2(%arg0: i32) -> (i32, i32, i32) {
    %c0_i32 = arith.constant 0 : i32
    %c0_i32_0 = arith.constant 0 : i32
    %c0_i32_1 = arith.constant 0 : i32
    return %c0_i32, %arg0, %c0_i32_0 : i32, i32, i32
  }
  func.func @transform_3(%arg0: i32) -> (i32, i32) {
    %c0_i32 = arith.constant 0 : i32
    %c0_i32_0 = arith.constant 0 : i32
    return %arg0, %c0_i32 : i32, i32
  }
  func.func @transform_4(%arg0: i32) -> (i32, i32) {
    %c0_i32 = arith.constant 0 : i32
    %c0_i32_0 = arith.constant 0 : i32
    return %arg0, %c0_i32 : i32, i32
  }
}

module attributes {stable_mosaic.version = 14 : i64} {
  func.func @_fin_body(%arg0: i32, %arg1: memref<2x2000x128xf32, #tpu.memory_space<vmem>>, %arg2: memref<2000x1xf32, #tpu.memory_space<vmem>>, %arg3: memref<1x128xf32, #tpu.memory_space<vmem>>, %arg4: memref<2000x128xf32, #tpu.memory_space<vmem>>) attributes {dimension_semantics = [#tpu.dimension_semantics<arbitrary>], iteration_bounds = array<i64: 5>, scalar_prefetch = 0 : i64, scratch_operands = 0 : i64, tpu.core_type = #tpu.core_type<tc>, window_params = [{transform_indices = @transform_0, window_bounds = array<i64: 2, 2000, 128>}, {transform_indices = @transform_1, window_bounds = array<i64: 2000, 1>}, {pipeline_mode = #tpu.pipeline_mode<synchronous>, transform_indices = @transform_2, window_bounds = array<i64: 1, 128>}, {transform_indices = @transform_3, window_bounds = array<i64: 2000, 128>}]} {
    %get3A = arith.constant 0 : index
    %get3A_0 = arith.constant 0 : index
    %get3A_1 = arith.constant 0 : index
    %get3A_2 = vector.load %arg1[%get3A, %get3A_0, %get3A_1] : memref<2x2000x128xf32, #tpu.memory_space<vmem>>, vector<1x2000x128xf32>
    %get3A_3 = vector.shape_cast %get3A_2 : vector<1x2000x128xf32> to vector<2000x128xf32>
    %get3A_4 = arith.constant 1 : index
    %get3A_5 = arith.constant 0 : index
    %get3A_6 = arith.constant 0 : index
    %get3A_7 = vector.load %arg1[%get3A_4, %get3A_5, %get3A_6] : memref<2x2000x128xf32, #tpu.memory_space<vmem>>, vector<1x2000x128xf32>
    %get3A_8 = vector.shape_cast %get3A_7 : vector<1x2000x128xf32> to vector<2000x128xf32>
    %add3A = arith.addf %get3A_3, %get3A_8 : vector<2000x128xf32>
    %get3A_9 = arith.constant 0 : index
    %get3A_10 = arith.constant 0 : index
    %get3A_11 = vector.load %arg2[%get3A_9, %get3A_10] : memref<2000x1xf32, #tpu.memory_space<vmem>>, vector<2000x1xf32>
    %mul3A = vector.broadcast %get3A_11 : vector<2000x1xf32> to vector<2000x128xf32>
    %mul3A_12 = arith.mulf %add3A, %mul3A : vector<2000x128xf32>
    %get3A_13 = arith.constant 0 : index
    %get3A_14 = arith.constant 0 : index
    %get3A_15 = vector.load %arg3[%get3A_13, %get3A_14] : memref<1x128xf32, #tpu.memory_space<vmem>>, vector<1x128xf32>
    %add3A_16 = vector.broadcast %get3A_15 : vector<1x128xf32> to vector<2000x128xf32>
    %add3A_17 = arith.addf %mul3A_12, %add3A_16 : vector<2000x128xf32>
    %max3A = arith.constant 0.000000e+00 : f32
    %max3A_18 = vector.broadcast %max3A : f32 to vector<2000x128xf32>
    %max3A_19 = arith.maximumf %add3A_17, %max3A_18 : vector<2000x128xf32>
    %swap3A = arith.constant 0 : index
    %swap3A_20 = arith.constant 0 : index
    %swap3A_21 = vector.load %arg4[%swap3A, %swap3A_20] : memref<2000x128xf32, #tpu.memory_space<vmem>>, vector<2000x128xf32>
    tpu.vector_store %arg4[%swap3A, %swap3A_20], %max3A_19 {strides = array<i32>} : memref<2000x128xf32, #tpu.memory_space<vmem>>, vector<2000x128xf32>,
    return
  }
  func.func @transform_0(%arg0: i32) -> (i32, i32, i32) {
    %c0_i32 = arith.constant 0 : i32
    %c0_i32_0 = arith.constant 0 : i32
    %c0_i32_1 = arith.constant 0 : i32
    return %c0_i32, %arg0, %c0_i32_0 : i32, i32, i32
  }
  func.func @transform_1(%arg0: i32) -> (i32, i32) {
    %c0_i32 = arith.constant 0 : i32
    %c0_i32_0 = arith.constant 0 : i32
    return %arg0, %c0_i32 : i32, i32
  }
  func.func @transform_2(%arg0: i32) -> (i32, i32) {
    %c0_i32 = arith.constant 0 : i32
    %c0_i32_0 = arith.constant 0 : i32
    %c0_i32_1 = arith.constant 0 : i32
    return %c0_i32, %c0_i32_0 : i32, i32
  }
  func.func @transform_3(%arg0: i32) -> (i32, i32) {
    %c0_i32 = arith.constant 0 : i32
    %c0_i32_0 = arith.constant 0 : i32
    return %arg0, %c0_i32 : i32, i32
  }
}

</mosaic_0001>

<sc_bundles>
// kernel: kernel.6.cloned.1.call-start
scs
__scs_entry_jumppad:
0x0: {  	(pc) =	sbr.rel $0x88, $3  }
0x1: {  	(tag) =	ssettag $0x0;
	lr =	simm.s32 $0x1  }
0x2: {  	[smem:$0x3F9D] =	sst lr;
	_ =	strace $0xD0000000  }
0x3: {  	_ = 	snop  }
0x4: {  	_ = 	snop  }
0x5: {  	_ = 	snop  }
0x6: {  	_ = 	snop  }
0x7: {  	_ = 	snop  }
__scs_overlays_trampoline_lowered:
0x8: {  	[smem:$0x3FAC] =	sst s0  }
0x9: {  	[smem:$0x3FAD] =	sst s1  }
0xa: {  	[smem:$0x3FAE] =	sst s2  }
0xb: {  	[smem:$0x3FAF] =	sst s3  }
0xc: {  	[smem:$0x3FB0] =	sst s4  }
0xd: {  	[smem:$0x3FB1] =	sst s5  }
0xe: {  	[smem:$0x3FB2] =	sst s6  }
0xf: {  	[smem:$0x3FB3] =	sst s7  }
0x10: {  	[smem:$0x3FB4] =	sst s8  }
0x11: {  	[smem:$0x3FB5] =	sst s9;
	s0 =	simm.s32 @!p0 $0x0  }
0x12: {  	s1 =	sld [smem:$0x3F9B];
	s0 =	simm.s32 @p0 $0x1  }
0x13: {  	[smem:$0x3FB6] =	sst s0;
	s0 =	simm.s32 @!p1 $0x0  }
0x14: {  	s2 =	sld [smem:$0x3F9A];
	s0 =	simm.s32 @p1 $0x1  }
0x15: {  	[smem:$0x3FB7] =	sst s0;
	s0 =	simm.s32 @!p2 $0x0  }
0x16: {  	s3 =	sld [smem:$0x3FDB];
	s0 =	simm.s32 @p2 $0x1  }
0x17: {  	s4 =	simm.s32 $0x1BF5;
	[smem:$0x3FB9] =	sst s0  }
0x18: {  	s0 =	sld [smem:$0x3F9C];
	_ =	swait.ge [sflag:s4], $0x0  }
0x19: {  	s7 =	sld [smem:$0x3F9D]  }
0x1a: {  	s8 =	sadd.s32 $0xFFFFE003, lr  }
0x1b: {  	s9 =	sadd.s32 $0xFFFFFEF7, lr;
	s5 =	simm.s32 $0xFFFFFFFF;
	p2 =	slt.u32 s8, $0xFFFFF086  }
0x1c: {  	p1 =	slt.u32 s9, $0xF7A;
	s5 =	simm.s32 @!p2 $0x0  }
0x1d: {  	s5 =	simm.s32 @p1 $0x1;
	p0 =	seq.s32 s7, s2  }
0x1e: {  	s7 =	smul.u32 @!p0 $0xF7A, s2;
	p2 =	seq.s32 @!p0 s5, $0x0  }
0x1f: {  	s9 =	smul.u32 $0xF7A, s1;
	s8 =	simm.s32 @!p0 $0x1BF5;
	p2 =	por !p2, p0  }
0x20: {  	[sflag:s8] =	ssyncset.s32 @!p0 $0xFFFFF086;
	s6 =	sadd.s32 @!p0 s3, s7;
	s7 =	simm.s32 @!p0 $0x108  }
0x21: {  	s3 =	sadd.s32 s3, s9;
	s6 =	sadd.s32 @!p0 $0x88, s6;
	s7 =	simm.s32 @p2 $0x1082  }
0x22: {  	[simem:s7], [sflag:s8] =	dma.local @!p0 [hbm:s6], $0xF7A  }
0x23: {  	s9 =	sor.u32 $0xD0000000, s2;
	s6 =	simm.s32 $0x108;
	_ =	swait.ge @!p0 [sflag:s8], $0x0  }
0x24: {  	s3 =	sadd.s32 $0x88, s3;
	s6 =	simm.s32 @!p1 $0x1082;
	[sflag:s4] =	ssyncset.s32 $0xFFFFF086  }
0x25: {  	[simem:s6], [sflag:s4] =	dma.local [hbm:s3], $0xF7A  }
0x26: {  	[smem:$0x3F9D] =	sst s1;
	(tag) =	ssettag s2;
	_ =	strace s9  }
0x27: {  	s1 =	sld [smem:$0x3FAD]  }
0x28: {  	s2 =	sld [smem:$0x3FAE]  }
0x29: {  	s4 =	sld [smem:$0x3FB0]  }
0x2a: {  	p0 =	seq.s32 s5, $0x0;
	s5 =	sld [smem:$0x3FB1]  }
0x2b: {  	s6 =	sld [smem:$0x3FB2]  }
0x2c: {  	s7 =	sld [smem:$0x3FB3]  }
0x2d: {  	s3 =	simm.s32 $0x108;
	s8 =	sld [smem:$0x3FB4]  }
0x2e: {  	s3 =	simm.s32 @!p0 $0x1082;
	s9 =	sld [smem:$0x3FB5]  }
0x2f: {  	lr =	sadd.s32 s0, s3;
	s0 =	sld [smem:$0x3FAC]  }
0x30: {  	s3 =	sld [smem:$0x3FAF]  }
0x31: {  	[smem:$0x3FB8] =	sst s10  }
0x32: {  	s10 =	sld [smem:$0x3FB6];
	_ =	sdelay $0x3  }
0x33: {  	p0 =	seq.s32 s10, $0x1;
	s10 =	sld [smem:$0x3FB8];
	_ =	sdelay $0x3  }
0x34: {  	[smem:$0x3FB8] =	sst s10  }
0x35: {  	s10 =	sld [smem:$0x3FB7];
	_ =	sdelay $0x3  }
0x36: {  	p1 =	seq.s32 s10, $0x1;
	s10 =	sld [smem:$0x3FB8];
	_ =	sdelay $0x3  }
0x37: {  	[smem:$0x3FB8] =	sst s10  }
0x38: {  	s10 =	sld [smem:$0x3FB9]  }
0x39: {  	_ = 	snop;
	(pc) =	sbr.ind lr, $3  }
0x3a: {  	_ = 	snop  }
0x3b: {  	_ = 	snop  }
0x3c: {  	p2 =	seq.s32 s10, $0x1;
	s10 =	sld [smem:$0x3FB8]  }
0x3d: {  	_ =	shalt  }
0x3e: {  	_ =	shalt  }
0x3f: {  	_ =	shalt  }
0x40: {  	_ =	shalt  }
0x41: {  	_ =	shalt  }
0x42: {  	_ =	shalt  }
0x43: {  	_ =	shalt  }
0x44: {  	_ =	shalt  }
0x45: {  	_ =	shalt  }
0x46: {  	_ =	shalt  }
0x47: {  	_ =	shalt  }
0x48: {  	_ =	shalt  }
0x49: {  	_ =	shalt  }
0x4a: {  	_ =	shalt  }
0x4b: {  	_ =	shalt  }
0x4c: {  	_ =	shalt  }
0x4d: {  	_ =	shalt  }
0x4e: {  	_ =	shalt  }
0x4f: {  	_ =	shalt  }
0x50: {  	_ =	shalt  }
0x51: {  	_ =	shalt  }
0x52: {  	_ =	shalt  }
0x53: {  	_ =	shalt  }
0x54: {  	_ =	shalt  }
0x55: {  	_ =	shalt  }
0x56: {  	_ =	shalt  }
0x57: {  	_ =	shalt  }
0x58: {  	_ =	shalt  }
0x59: {  	_ =	shalt  }
0x5a: {  	_ =	shalt  }
0x5b: {  	_ =	shalt  }
0x5c: {  	_ =	shalt  }
0x5d: {  	_ =	shalt  }
0x5e: {  	_ =	shalt  }
0x5f: {  	_ =	shalt  }
0x60: {  	_ =	shalt  }
0x61: {  	_ =	shalt  }
0x62: {  	_ =	shalt  }
0x63: {  	_ =	shalt  }
0x64: {  	_ =	shalt  }
0x65: {  	_ =	shalt  }
0x66: {  	_ =	shalt  }
0x67: {  	_ =	shalt  }
0x68: {  	_ =	shalt  }
0x69: {  	_ =	shalt  }
0x6a: {  	_ =	shalt  }
0x6b: {  	_ =	shalt  }
0x6c: {  	_ =	shalt  }
0x6d: {  	_ =	shalt  }
0x6e: {  	_ =	shalt  }
0x6f: {  	_ =	shalt  }
0x70: {  	_ =	shalt  }
0x71: {  	_ =	shalt  }
0x72: {  	_ =	shalt  }
0x73: {  	_ =	shalt  }
0x74: {  	_ =	shalt  }
0x75: {  	_ =	shalt  }
0x76: {  	_ =	shalt  }
0x77: {  	_ =	shalt  }
0x78: {  	_ =	shalt  }
0x79: {  	_ =	shalt  }
0x7a: {  	_ =	shalt  }
0x7b: {  	_ =	shalt  }
0x7c: {  	_ =	shalt  }
0x7d: {  	_ =	shalt  }
0x7e: {  	_ =	shalt  }
0x7f: {  	_ =	shalt  }
0x80: {  	_ =	shalt  }
0x81: {  	_ =	shalt  }
0x82: {  	_ =	shalt  }
0x83: {  	_ =	shalt  }
0x84: {  	_ =	shalt  }
0x85: {  	_ =	shalt  }
0x86: {  	_ =	shalt  }
0x87: {  	_ =	shalt  }
.Lfunc_end0:
.L_simem_size_0:
called_computation_lowered:
.L_overlay_start_0:
0x88: {  	s2 =	sld [smem:$0x3FD9]  }
0x89: {  	s3 =	sld [smem:$0x3FFE];
	_ =	sdelay $0x1  }
0x8a: {  	s1 =	srdreg.scid  }
0x8b: {  	s0 =	sand.u32 $0x1, s1  }
0x8c: {  	s16 =	sshll.u32 s0, $0xA;
	s2 =	sadd.s32 s3, s2  }
0x8d: {  	s2 =	sadd.s32 s2, s16  }
0x8e: {  	[smem:$0x3FC4] =	sst s2  }
0x8f: {  	_ = 	snop  }
0x90: {  	(tm) =	ssettm $0x1  }
0x91: {  	s17 =	sld [smem:$0x3FFB];
	_ =	sdelay $0x3  }
0x92: {  	_ =	strace s17  }
0x93: {  	s2 =	sld [smem:$0x3FFC];
	_ =	sdelay $0x3  }
0x94: {  	_ =	strace s2  }
0x95: {  	s2 =	sld [smem:$0x3FFD];
	_ =	sdelay $0x3  }
0x96: {  	_ =	strace s2  }
0x97: {  	_ =	strace $0x8FFFFFFF  }
0x98: {  	s18 =	sld [smem:$0x3FDB];
	_ =	sdelay $0x1  }
0x99: {  	s19 =	simm.s32 $_scs_section_size  }
0x9a: {  	s4 =	simm.s32 $_size__tile_overlayer_lowered;
	s5 =	simm.s32 $_tile_overlayer_lowered  }
0x9b: {  	s22 =	simm.s32 $0x1BFF;
	s21 =	sshll.u32 s5, $0x1;
	s2 =	sadd.s32 s19, s18  }
0x9c: {  	s6 =	simm.s32 $0x0;
	s20 =	sshll.u32 s4, $0x1;
	s4 =	sadd.s32 s21, s2  }
0x9d: {  	[timem:s6], [sflag:s22] =	dma.local [hbm:s4], s20  }
0x9e: {  	_ =	swait.ge [sflag:s22], s20  }
0x9f: {  	s3 =	ssub.s32 $0x0, s20;
	[sflag:s22] =	ssyncset.done $0x0  }
0xa0: {  	[sflag:s22] =	ssyncadd.s32 s3;
	_ =	sdelay $0x1  }
0xa1: {  	s23 =	simm.s32 $0x1B8B  }
0xa2: {  	_ =	swait.ge [sflag:s23], $0x1  }
0xa3: {  	[sflag:s23] =	ssyncset.done $0x0  }
0xa4: {  	s25 =	simm.s32 $0x1B8E;
	s24 =	sld [smem:$0x3FFE];
	[sflag:s23] =	ssyncadd.s32 $0xFFFFFFFF  }
0xa5: {  	s26 =	simm.s32 $execute0_lowered;
	[smem:$0x3FD2] =	sst s25  }
0xa6: {  	s4 =	sshll.u32 s26, $0x1;
	_ =	strace $0x80000046;
	[dreg:$0x1] =	wrdreg $0xFFFFFFFF  }
0xa7: {  	s28 =	simm.s32 $_size_execute0_lowered;
	s2 =	sadd.s32 s2, s4;
	[dreg:$0x0] =	wrdreg $0x0  }
0xa8: {  	s4 =	sshll.u32 s28, $0x1;
	[dreg:$0x2] =	wrdreg s2  }
0xa9: {  	[dreg:$0x3] =	wrdreg s4  }
0xaa: {  	[dreg:$0x4] =	wrdreg $0xC0  }
0xab: {  	_ =	task [dreg:s6], $0x5FFFF  }
0xac: {  	[dreg:$0x1] =	wrdreg $0xFFFFFFFF  }
0xad: {  	[dreg:$0x0] =	wrdreg $0x60  }
0xae: {  	[dreg:$0x2] =	wrdreg s24  }
0xaf: {  	[dreg:$0x3] =	wrdreg $0x50000  }
0xb0: {  	[dreg:$0x4] =	wrdreg $0x9  }
0xb1: {  	_ =	task.clear_ibuf [dreg:s6], $0x5FFFF;
	_ =	strace $0x90000046  }
0xb2: {  	s29 =	simm.s32 $0x9;
	_ =	strace $0x80000048  }
0xb3: {  	_ =	swait.ge [sflag:s29], $0x1  }
0xb4: {  	[sflag:s29] =	ssyncadd.s32 $0xFFFFFFFF  }
0xb5: {  	_ =	strace $0x90000048  }
0xb6: {  	_ =	sfence  }
0xb7: {  	s30 =	sld [smem:$0x0];
	_ =	sdelay $0x2  }
0xb8: {  	s31 =	sshll.u32 s1, $0xD;
	s1 =	sshrl.u32 s1, $0x2  }
0xb9: {  	s3 =	sand.u32 $0x4000, s31;
	s1 =	sadd.s32 s1, s30  }
0xba: {  	s0 =	sor.u32 s3, s0;
	s1 =	sshll.u32 s1, $0x11  }
0xbb: {  	s0 =	sor.u32 s1, s0  }
0xbc: {  	s0 =	sadd.s32 $0x8F2B, s0  }
0xbd: {  	[sflag:s0] =	ssyncadd.remote.s32 $0x1  }
0xbe: {  	_ =	sfence.sel $0xFFFF  }
0xbf: {  	[dreg:$0x0] =	wrdreg $0xFFFFFFFF;
	(pc) =	sbr.abs _section_cstart, $3  }
0xc0: {  	[dreg:$0x1] =	wrdreg $0xFFFFFFFF  }
0xc1: {  	_ =	task.clear_ibuf [dreg:s6], $0x2FFFF;
	_ =	strace $0x9FFFFFFF  }
0xc2: {  	(tm) =	ssettm $0x7FFFFFFF  }
0xc3: {  	_ =	shalt  }
tec
execute0_lowered:
.L_overlay_start_1:
0x0: {  	(tag) =	ssettag $0x1  }
0x1: {  	s0 =	srdreg.scid;
	s4 =	rddreg [dreg:$0x0]  }
0x2: {  	s6 =	stileid.u32;
	s1 =	rddreg [dreg:$0x1]  }
0x3: {  	s2 =	simm.s32 $0x0;
	s9 =	simm.s32 $0x4F80;
	s11 =	simm.s32 $0x0  }
0x4: {  	s3 =	sand.u32 $0x1, s0;
	[smem:$0x7FF] =	sst s2;
	p0 =	sne.s32 s6, $0x0  }
0x5: {  	s0 =	sshll.u32 s3, $0x4;
	s7 =	smul.u32 $0x500, s3;
	s3 =	ssub.s32 $0x2, s3  }
0x6: {  	s10 =	sshrl.u32 @!p0 s1, $0x3;
	s5 =	sor.u32 s6, s0;
	s0 =	rddreg [dreg:$0x2]  }
0x7: {  	_ =	strace $0x80000047;
	s8 =	sshrl.u32 s3, $0x1;
	s5 =	smul.u32 $0x4E2, s5  }
0x8: {  	v0 =	vlaneseq.u32;
	s6 =	simm.s32 $0x2800;
	s31 =	ssub.s32 s3, s8;
	s8 =	simm.s32 $0x50  }
0x9: {  	v1 =	vimm.f32 $0.0e+00;
	v6 =	vimm.f32 $1.000000000e+00;
	v2 =	vor.u32 $0x10, v0;
	s5 =	sadd.s32 s5, s4;
	s4 =	sadd.s32 s7, s4;
	s7 =	simm.s32 $0x1  }
0xa: {  	v3 =	vor.u32 $0x20, v0;
	v4 =	vor.u32 $0x30, v0;
	v5 =	vor.u32 $0x40, v0;
	s3 =	sadd.s32 $0x1400, s5;
	s4 =	sadd.s32 $0xB200, s4;
	s5 =	smax.u32 s31, $0x1  }
.LBB2_1:
0xb: {  	s12 =	simm.s32 $0x70;
	s13 =	simm.s32 $0x3C0  }
.LBB2_2:
0xc: {  	p1 =	sne.s32 s13, $0x9FC0;
	[tilespmem:s12+$0x0] =	vst v1  }
0xd: {  	[tilespmem:s12+$0xFFFFFF90] =	vst v1  }
0xe: {  	[tilespmem:s12+$0xFFFFFFA0] =	vst v1  }
.Ltmp0:
0xf: {  	[tilespmem:s12+$0xFFFFFFB0] =	vst v1;
	(pc) =	sbr.rel @p1 .LBB2_2-.Ltmp0, $4  }
0x10: {  	[tilespmem:s12+$0xFFFFFFC0] =	vst v1  }
0x11: {  	[tilespmem:s12+$0xFFFFFFD0] =	vst v1  }
0x12: {  	[tilespmem:s12+$0xFFFFFFE0] =	vst v1  }
0x13: {  	[tilespmem:s12+$0xFFFFFFF0] =	vst v1;
	s12 =	sshra.s32 s13, $0x2;
	s13 =	sadd.s32 $0x200, s13  }
0x14: {  	[tilespmem:s12+$0x0] =	vst v1  }
0x15: {  	[tilespmem:s12+$0xFFFFFF90] =	vst v1  }
0x16: {  	[tilespmem:s12+$0xFFFFFFA0] =	vst v1  }
0x17: {  	[tilespmem:s12+$0xFFFFFFB0] =	vst v1  }
0x18: {  	[tilespmem:s12+$0xFFFFFFC0] =	vst v1  }
0x19: {  	[tilespmem:s12+$0xFFFFFFD0] =	vst v1  }
0x1a: {  	[tilespmem:s12+$0xFFFFFFE0] =	vst v1  }
0x1b: {  	[tilespmem:s12+$0xFFFFFFF0] =	vst v1  }
0x1c: {  	[tilespmem:$0x4F80] =	vst v0  }
0x1d: {  	[tilespmem:$0x4F90] =	vst v2  }
0x1e: {  	[tilespmem:$0x4FA0] =	vst v3  }
0x1f: {  	[tilespmem:$0x4FB0] =	vst v4  }
0x20: {  	s12 =	simm.s32 @!p0 $0x0;
	[tilespmem:$0x4FC0] =	vst v5  }
0x21: {  	[spmem:s1] =	stream.linear.scatter @!p0 [tilespmem:s12], [sflag:$0x1], $0x2800, $0x38;
	[tilespmem:$0x5280] =	vst v63  }
0x22: {  	s12 =	simm.s32 @!p0 $0x1  }
0x23: {  	_ =	swait.ge @!p0 [sflag:s12], $0x2800  }
0x24: {  	[sflag:s12] =	ssyncset.done @!p0 $0x0  }
0x25: {  	s31 =	simm.s32 $0x0;
	[sflag:s12] =	ssyncadd.s32 @!p0 $0xFFFFD800  }
0x26: {  	[tilespmem:s6], [sflag:$0x1] =	stream.linear.gather [hbm4b:s3+s31], $0x2710, $0x38;
	[tilespmem:$0x5280] =	vst v63  }
0x27: {  	_ =	swait.ge [sflag:s7], $0x2710  }
0x28: {  	[sflag:s7] =	ssyncset.done $0x0  }
0x29: {  	s13 =	simm.s32 $0x0;
	s12 =	simm.s32 $0x40;
	[sflag:s7] =	ssyncadd.s32 $0xFFFFD8F0  }
.LBB2_4:
0x2a: {  	p1 =	sne.s32 s12, $0x9C00;
	v7 =	vld [tilespmem:s13+$0x2800];
	_ =	sdelay $0x3  }
.Ltmp1:
0x2b: {  	(pc) =	sbr.rel @p1 .LBB2_4-.Ltmp1, $2  }
0x2c: {  	_ =	sdelay $0x2  }
0x2d: {  	s13 =	sshra.s32 s12, $0x2;
	s12 =	sadd.s32 $0x40, s12;
	[tilespmem:v7+s2+$0x0] =	vst.idx.add.f32.msk $0xffff, v6  }
0x2e: {  	v7 =	vld [tilespmem:s13+$0x2800];
	_ =	sdelay $0x7  }
0x2f: {  	[tilespmem:v7+s2+$0x0] =	vst.idx.add.f32.msk $0xffff, v6  }
0x30: {  	[bflag:$0x0] =	sbarrier.arrive $0xFFFF  }
0x31: {  	[spmem:s1] =	stream.indirect.scatter.add.f32 [tilespmem:s2], [sflag:$0x1], $0x80, s9, s8, $0xb8;
	[tilespmem:$0x5280] =	vst v63  }
0x32: {  	_ =	swait.ge [sflag:s7], $0x2800  }
0x33: {  	[sflag:s7] =	ssyncset.done $0x0  }
0x34: {  	s11 =	sadd.s32 $0x1, s11;
	[sflag:s7] =	ssyncadd.s32 $0xFFFFD800  }
0x35: {  	s12 =	simm.s32 @!p0 $0x1C01;
	p1 =	sne.s32 s11, s5;
	[bflag:$0x0] =	sbarrier.arrive $0xFFFF  }
0x36: {  	[hbm:s4], [sflag:s12] =	dma.local @!p0 [spmem:s10], $0x500  }
.Ltmp2:
0x37: {  	_ = 	snop;
	(pc) =	sbr.rel @p1 .LBB2_1-.Ltmp2, $4  }
0x38: {  	s12 =	simm.s32 @!p0 $0x1  }
0x39: {  	_ =	swait.ge @!p0 [sflag:s12], $0x500  }
0x3a: {  	[sflag:s12] =	ssyncset.done @!p0 $0x0  }
0x3b: {  	[sflag:s12] =	ssyncadd.s32 @!p0 $0xFFFFFB00  }
0x3c: {  	_ =	sfence.sel $0x180000  }
0x3d: {  	[bflag:$0x0] =	sbarrier.arrive $0xFFFF  }
0x3e: {  	_ =	strace $0x90000047  }
0x3f: {  	s0 =	sadd.s32 @!p0 $0x100000, s0;
	[bflag:$0x2] =	sbarrier.arrive $0xFFFF  }
0x40: {  	[sflag:s0] =	ssyncadd.tile.s32 @!p0 $0x1;
	_ =	shalt  }
.Lfunc_end2:
_tile_overlayer_lowered:
.L_overlay_start_2:
0x41: {  	(tag) =	ssettag $0x2  }
0x42: {  	s0 =	rddreg [dreg:$0x0];
	s2 =	stileid.u32  }
0x43: {  	s1 =	rddreg [dreg:$0x1];
	p0 =	sne.s32 s2, $0x0  }
0x44: {  	s3 =	rddreg [dreg:$0x2];
	[bflag:$0x3] =	sbarrier.arrive $0xFFFF;
	s2 =	simm.s32 @!p0 $0x1C01  }
0x45: {  	[timem:s3], [sflag:s2] =	dma.local @!p0 [hbm:s0], s1  }
0x46: {  	s0 =	simm.s32 @!p0 $0x1  }
0x47: {  	_ =	swait.ge @!p0 [sflag:s0], s1  }
0x48: {  	s1 =	ssub.s32 @!p0 $0x0, s1;
	[sflag:s0] =	ssyncset.done @!p0 $0x0  }
0x49: {  	[sflag:s0] =	ssyncadd.s32 @!p0 s1  }
0x4a: {  	[bflag:$0x3] =	sbarrier.arrive $0xFFFF  }
0x4b: {  	_ =	shalt  }

// kernel: kernel.9.cloned.1.call-start
scs
__scs_entry_jumppad:
0x0: {  	(pc) =	sbr.rel $0x88, $3  }
0x1: {  	(tag) =	ssettag $0x0;
	lr =	simm.s32 $0x1  }
0x2: {  	[smem:$0x3F9D] =	sst lr;
	_ =	strace $0xD0000000  }
0x3: {  	_ = 	snop  }
0x4: {  	_ = 	snop  }
0x5: {  	_ = 	snop  }
0x6: {  	_ = 	snop  }
0x7: {  	_ = 	snop  }
__scs_overlays_trampoline_lowered:
0x8: {  	[smem:$0x3FAC] =	sst s0  }
0x9: {  	[smem:$0x3FAD] =	sst s1  }
0xa: {  	[smem:$0x3FAE] =	sst s2  }
0xb: {  	[smem:$0x3FAF] =	sst s3  }
0xc: {  	[smem:$0x3FB0] =	sst s4  }
0xd: {  	[smem:$0x3FB1] =	sst s5  }
0xe: {  	[smem:$0x3FB2] =	sst s6  }
0xf: {  	[smem:$0x3FB3] =	sst s7  }
0x10: {  	[smem:$0x3FB4] =	sst s8  }
0x11: {  	[smem:$0x3FB5] =	sst s9;
	s0 =	simm.s32 @!p0 $0x0  }
0x12: {  	s1 =	sld [smem:$0x3F9B];
	s0 =	simm.s32 @p0 $0x1  }
0x13: {  	[smem:$0x3FB6] =	sst s0;
	s0 =	simm.s32 @!p1 $0x0  }
0x14: {  	s2 =	sld [smem:$0x3F9A];
	s0 =	simm.s32 @p1 $0x1  }
0x15: {  	[smem:$0x3FB7] =	sst s0;
	s0 =	simm.s32 @!p2 $0x0  }
0x16: {  	s3 =	sld [smem:$0x3FDB];
	s0 =	simm.s32 @p2 $0x1  }
0x17: {  	s4 =	simm.s32 $0x1BF5;
	[smem:$0x3FB9] =	sst s0  }
0x18: {  	s0 =	sld [smem:$0x3F9C];
	_ =	swait.ge [sflag:s4], $0x0  }
0x19: {  	s7 =	sld [smem:$0x3F9D]  }
0x1a: {  	s8 =	sadd.s32 $0xFFFFE003, lr  }
0x1b: {  	s9 =	sadd.s32 $0xFFFFFEF7, lr;
	s5 =	simm.s32 $0xFFFFFFFF;
	p2 =	slt.u32 s8, $0xFFFFF086  }
0x1c: {  	p1 =	slt.u32 s9, $0xF7A;
	s5 =	simm.s32 @!p2 $0x0  }
0x1d: {  	s5 =	simm.s32 @p1 $0x1;
	p0 =	seq.s32 s7, s2  }
0x1e: {  	s7 =	smul.u32 @!p0 $0xF7A, s2;
	p2 =	seq.s32 @!p0 s5, $0x0  }
0x1f: {  	s9 =	smul.u32 $0xF7A, s1;
	s8 =	simm.s32 @!p0 $0x1BF5;
	p2 =	por !p2, p0  }
0x20: {  	[sflag:s8] =	ssyncset.s32 @!p0 $0xFFFFF086;
	s6 =	sadd.s32 @!p0 s3, s7;
	s7 =	simm.s32 @!p0 $0x108  }
0x21: {  	s3 =	sadd.s32 s3, s9;
	s6 =	sadd.s32 @!p0 $0x88, s6;
	s7 =	simm.s32 @p2 $0x1082  }
0x22: {  	[simem:s7], [sflag:s8] =	dma.local @!p0 [hbm:s6], $0xF7A  }
0x23: {  	s9 =	sor.u32 $0xD0000000, s2;
	s6 =	simm.s32 $0x108;
	_ =	swait.ge @!p0 [sflag:s8], $0x0  }
0x24: {  	s3 =	sadd.s32 $0x88, s3;
	s6 =	simm.s32 @!p1 $0x1082;
	[sflag:s4] =	ssyncset.s32 $0xFFFFF086  }
0x25: {  	[simem:s6], [sflag:s4] =	dma.local [hbm:s3], $0xF7A  }
0x26: {  	[smem:$0x3F9D] =	sst s1;
	(tag) =	ssettag s2;
	_ =	strace s9  }
0x27: {  	s1 =	sld [smem:$0x3FAD]  }
0x28: {  	s2 =	sld [smem:$0x3FAE]  }
0x29: {  	s4 =	sld [smem:$0x3FB0]  }
0x2a: {  	p0 =	seq.s32 s5, $0x0;
	s5 =	sld [smem:$0x3FB1]  }
0x2b: {  	s6 =	sld [smem:$0x3FB2]  }
0x2c: {  	s7 =	sld [smem:$0x3FB3]  }
0x2d: {  	s3 =	simm.s32 $0x108;
	s8 =	sld [smem:$0x3FB4]  }
0x2e: {  	s3 =	simm.s32 @!p0 $0x1082;
	s9 =	sld [smem:$0x3FB5]  }
0x2f: {  	lr =	sadd.s32 s0, s3;
	s0 =	sld [smem:$0x3FAC]  }
0x30: {  	s3 =	sld [smem:$0x3FAF]  }
0x31: {  	[smem:$0x3FB8] =	sst s10  }
0x32: {  	s10 =	sld [smem:$0x3FB6];
	_ =	sdelay $0x3  }
0x33: {  	p0 =	seq.s32 s10, $0x1;
	s10 =	sld [smem:$0x3FB8];
	_ =	sdelay $0x3  }
0x34: {  	[smem:$0x3FB8] =	sst s10  }
0x35: {  	s10 =	sld [smem:$0x3FB7];
	_ =	sdelay $0x3  }
0x36: {  	p1 =	seq.s32 s10, $0x1;
	s10 =	sld [smem:$0x3FB8];
	_ =	sdelay $0x3  }
0x37: {  	[smem:$0x3FB8] =	sst s10  }
0x38: {  	s10 =	sld [smem:$0x3FB9]  }
0x39: {  	_ = 	snop;
	(pc) =	sbr.ind lr, $3  }
0x3a: {  	_ = 	snop  }
0x3b: {  	_ = 	snop  }
0x3c: {  	p2 =	seq.s32 s10, $0x1;
	s10 =	sld [smem:$0x3FB8]  }
0x3d: {  	_ =	shalt  }
0x3e: {  	_ =	shalt  }
0x3f: {  	_ =	shalt  }
0x40: {  	_ =	shalt  }
0x41: {  	_ =	shalt  }
0x42: {  	_ =	shalt  }
0x43: {  	_ =	shalt  }
0x44: {  	_ =	shalt  }
0x45: {  	_ =	shalt  }
0x46: {  	_ =	shalt  }
0x47: {  	_ =	shalt  }
0x48: {  	_ =	shalt  }
0x49: {  	_ =	shalt  }
0x4a: {  	_ =	shalt  }
0x4b: {  	_ =	shalt  }
0x4c: {  	_ =	shalt  }
0x4d: {  	_ =	shalt  }
0x4e: {  	_ =	shalt  }
0x4f: {  	_ =	shalt  }
0x50: {  	_ =	shalt  }
0x51: {  	_ =	shalt  }
0x52: {  	_ =	shalt  }
0x53: {  	_ =	shalt  }
0x54: {  	_ =	shalt  }
0x55: {  	_ =	shalt  }
0x56: {  	_ =	shalt  }
0x57: {  	_ =	shalt  }
0x58: {  	_ =	shalt  }
0x59: {  	_ =	shalt  }
0x5a: {  	_ =	shalt  }
0x5b: {  	_ =	shalt  }
0x5c: {  	_ =	shalt  }
0x5d: {  	_ =	shalt  }
0x5e: {  	_ =	shalt  }
0x5f: {  	_ =	shalt  }
0x60: {  	_ =	shalt  }
0x61: {  	_ =	shalt  }
0x62: {  	_ =	shalt  }
0x63: {  	_ =	shalt  }
0x64: {  	_ =	shalt  }
0x65: {  	_ =	shalt  }
0x66: {  	_ =	shalt  }
0x67: {  	_ =	shalt  }
0x68: {  	_ =	shalt  }
0x69: {  	_ =	shalt  }
0x6a: {  	_ =	shalt  }
0x6b: {  	_ =	shalt  }
0x6c: {  	_ =	shalt  }
0x6d: {  	_ =	shalt  }
0x6e: {  	_ =	shalt  }
0x6f: {  	_ =	shalt  }
0x70: {  	_ =	shalt  }
0x71: {  	_ =	shalt  }
0x72: {  	_ =	shalt  }
0x73: {  	_ =	shalt  }
0x74: {  	_ =	shalt  }
0x75: {  	_ =	shalt  }
0x76: {  	_ =	shalt  }
0x77: {  	_ =	shalt  }
0x78: {  	_ =	shalt  }
0x79: {  	_ =	shalt  }
0x7a: {  	_ =	shalt  }
0x7b: {  	_ =	shalt  }
0x7c: {  	_ =	shalt  }
0x7d: {  	_ =	shalt  }
0x7e: {  	_ =	shalt  }
0x7f: {  	_ =	shalt  }
0x80: {  	_ =	shalt  }
0x81: {  	_ =	shalt  }
0x82: {  	_ =	shalt  }
0x83: {  	_ =	shalt  }
0x84: {  	_ =	shalt  }
0x85: {  	_ =	shalt  }
0x86: {  	_ =	shalt  }
0x87: {  	_ =	shalt  }
.Lfunc_end0:
.L_simem_size_0:
called_computation.1_lowered:
.L_overlay_start_0:
0x88: {  	s2 =	sld [smem:$0x3FD9]  }
0x89: {  	s3 =	sld [smem:$0x3FFE];
	_ =	sdelay $0x1  }
0x8a: {  	s1 =	srdreg.scid  }
0x8b: {  	s0 =	sand.u32 $0x1, s1  }
0x8c: {  	s17 =	sshll.u32 s0, $0xA;
	s2 =	sadd.s32 s3, s2  }
0x8d: {  	s2 =	sadd.s32 s2, s17  }
0x8e: {  	[smem:$0x3FC4] =	sst s2  }
0x8f: {  	_ = 	snop  }
0x90: {  	s2 =	sld [smem:$0x3FD0];
	(tm) =	ssettm $0x1  }
0x91: {  	s18 =	sld [smem:$0x3FFB];
	_ =	sdelay $0x3  }
0x92: {  	_ =	strace s18  }
0x93: {  	s3 =	sld [smem:$0x3FFC];
	_ =	sdelay $0x3  }
0x94: {  	_ =	strace s3  }
0x95: {  	s3 =	sld [smem:$0x3FFD];
	_ =	sdelay $0x3  }
0x96: {  	_ =	strace s3  }
0x97: {  	_ =	strace $0x8FFFFFFF  }
0x98: {  	s19 =	sld [smem:$0x3FDB];
	_ =	sdelay $0x1  }
0x99: {  	s4 =	simm.s32 $_scs_section_size  }
0x9a: {  	s5 =	simm.s32 $_size__tile_overlayer_lowered;
	s6 =	simm.s32 $_tile_overlayer_lowered  }
0x9b: {  	s22 =	simm.s32 $0x1BFF;
	s21 =	sshll.u32 s6, $0x1;
	s3 =	sadd.s32 s4, s19  }
0x9c: {  	s7 =	simm.s32 $0x0;
	s20 =	sshll.u32 s5, $0x1;
	s5 =	sadd.s32 s21, s3  }
0x9d: {  	[timem:s7], [sflag:s22] =	dma.local [hbm:s5], s20  }
0x9e: {  	_ =	swait.ge [sflag:s22], s20  }
0x9f: {  	s4 =	ssub.s32 $0x0, s20;
	[sflag:s22] =	ssyncset.done $0x0  }
0xa0: {  	[sflag:s22] =	ssyncadd.s32 s4;
	_ =	sdelay $0x1  }
0xa1: {  	s23 =	simm.s32 $0x1B8B  }
0xa2: {  	_ =	swait.ge [sflag:s23], $0x1  }
0xa3: {  	[sflag:s23] =	ssyncset.done $0x0  }
0xa4: {  	s25 =	simm.s32 $0x1B8E;
	s24 =	sld [smem:$0x3FFE];
	[sflag:s23] =	ssyncadd.s32 $0xFFFFFFFF  }
0xa5: {  	s26 =	simm.s32 $execute0_lowered;
	[smem:$0x3FD2] =	sst s25  }
0xa6: {  	s5 =	sshll.u32 s26, $0x1;
	_ =	strace $0x80000049;
	[dreg:$0x1] =	wrdreg $0xFFFFFFFF  }
0xa7: {  	s28 =	simm.s32 $_size_execute0_lowered;
	s3 =	sadd.s32 s3, s5;
	[dreg:$0x0] =	wrdreg $0x0  }
0xa8: {  	s5 =	sshll.u32 s28, $0x1;
	[dreg:$0x2] =	wrdreg s3  }
0xa9: {  	[dreg:$0x3] =	wrdreg s5  }
0xaa: {  	[dreg:$0x4] =	wrdreg $0xC0  }
0xab: {  	_ =	task [dreg:s7], $0x5FFFF  }
0xac: {  	[dreg:$0x1] =	wrdreg $0xFFFFFFFF  }
0xad: {  	[dreg:$0x0] =	wrdreg $0x60  }
0xae: {  	[dreg:$0x2] =	wrdreg s24  }
0xaf: {  	[dreg:$0x3] =	wrdreg s2  }
0xb0: {  	[dreg:$0x4] =	wrdreg $0x0  }
0xb1: {  	[dreg:$0x5] =	wrdreg $0x9  }
0xb2: {  	_ =	task.clear_ibuf [dreg:s7], $0x6FFFF;
	_ =	strace $0x90000049  }
0xb3: {  	s29 =	simm.s32 $0x9;
	_ =	strace $0x8000004B  }
0xb4: {  	_ =	swait.ge [sflag:s29], $0x1  }
0xb5: {  	[sflag:s29] =	ssyncadd.s32 $0xFFFFFFFF  }
0xb6: {  	_ =	strace $0x9000004B  }
0xb7: {  	_ =	sfence  }
0xb8: {  	s30 =	sld [smem:$0x0];
	_ =	sdelay $0x2  }
0xb9: {  	s31 =	sshll.u32 s1, $0xD;
	s1 =	sshrl.u32 s1, $0x2  }
0xba: {  	s3 =	sand.u32 $0x4000, s31;
	s1 =	sadd.s32 s1, s30  }
0xbb: {  	s0 =	sor.u32 s3, s0;
	s1 =	sshll.u32 s1, $0x11  }
0xbc: {  	s0 =	sor.u32 s1, s0  }
0xbd: {  	s0 =	sadd.s32 $0x8F2B, s0  }
0xbe: {  	[sflag:s0] =	ssyncadd.remote.s32 $0x1  }
0xbf: {  	_ =	sfence.sel $0xFFFF  }
0xc0: {  	[dreg:$0x0] =	wrdreg $0xFFFFFFFF;
	(pc) =	sbr.abs _section_cstart, $3  }
0xc1: {  	[dreg:$0x1] =	wrdreg $0xFFFFFFFF  }
0xc2: {  	_ =	task.clear_ibuf [dreg:s7], $0x2FFFF;
	_ =	strace $0x9FFFFFFF  }
0xc3: {  	(tm) =	ssettm $0x7FFFFFFF  }
tec
execute0_lowered:
.L_overlay_start_1:
0x0: {  	(tag) =	ssettag $0x1  }
0x1: {  	s0 =	rddreg [dreg:$0x0]  }
0x2: {  	s1 =	rddreg [dreg:$0x1];
	s3 =	srdreg.scid  }
0x3: {  	s2 =	rddreg [dreg:$0x2];
	s11 =	stileid.u32  }
0x4: {  	s28 =	simm.s32 $0x15380;
	s29 =	simm.s32 $0x153C0;
	s7 =	smul.u32 $0x14000, s11  }
0x5: {  	s30 =	simm.s32 $0x16700;
	s31 =	simm.s32 $0x16780;
	s26 =	smul.u32 $0x50000, s11  }
0x6: {  	s5 =	sand.u32 $0x1, s3;
	s3 =	simm.s32 $0x0;
	s10 =	smul.u32 $0x280, s11  }
0x7: {  	s4 =	sadd.s32 $0x15C00, s0;
	p2 =	slt.u32 s11, $0x8;
	s12 =	smul.u32 $0x2800, s11  }
0x8: {  	s6 =	smul.u32 $0x140000, s5;
	[smem:$0x7FF] =	sst s3;
	s8 =	ssub.s32 $0x2, s5  }
0x9: {  	s9 =	sshll.u32 s5, $0x4;
	p1 =	seq.s32 s5, $0x1;
	_ =	strace $0x8000004A  }
0xa: {  	s24 =	sshrl.u32 s8, $0x1;
	s25 =	sor.u32 s11, s9;
	p0 =	por !p1, !p1  }
0xb: {  	s9 =	sshrl.u32 s26, $0x2;
	s13 =	sor.u32 $0x50, s10;
	s16 =	sadd.s32 $0xA0, s10  }
0xc: {  	s20 =	sadd.s32 $0x140, s10;
	s22 =	sadd.s32 $0x190, s10;
	s26 =	sadd.s32 $0x1E0, s10  }
0xd: {  	s6 =	sadd.s32 s7, s6;
	s7 =	sadd.s32 $0xBC00, s0;
	p0 =	por @!p2 p1, p1  }
0xe: {  	s5 =	sadd.s32 s9, s2;
	s9 =	sadd.s32 s4, s12;
	s14 =	sshll.u32 s13, $0x4  }
0xf: {  	s11 =	sshll.u32 s13, $0x7;
	s17 =	sshll.u32 s16, $0x4;
	s12 =	sadd.s32 $0xF0, s10  }
0x10: {  	s21 =	sshll.u32 s20, $0x4;
	s13 =	sshll.u32 s22, $0x4;
	s10 =	sadd.s32 $0x230, s10  }
0x11: {  	s6 =	sshrl.u32 s6, $0x3;
	[dreg:$0x4] =	wrdreg s9;
	s9 =	sadd.s32 s4, s14  }
0x12: {  	s15 =	sadd.s32 s11, s2;
	s11 =	sadd.s32 s4, s17;
	s18 =	sshll.u32 s12, $0x4  }
0x13: {  	s19 =	sshll.u32 s12, $0x7;
	s12 =	sshll.u32 s10, $0x4;
	[dreg:$0x5] =	wrdreg s9  }
0x14: {  	s14 =	sadd.s32 $0x2800, s5;
	s0 =	sadd.s32 s6, s0;
	[dreg:$0x6] =	wrdreg s15  }
0x15: {  	s6 =	ssub.s32 s8, s24;
	s9 =	sshll.u32 s16, $0x7;
	[dreg:$0x7] =	wrdreg s11  }
0x16: {  	s11 =	sshll.u32 s20, $0x7;
	s8 =	smul.u32 $0x2800, s25;
	s24 =	sadd.s32 s4, s13  }
0x17: {  	s25 =	sshll.u32 s22, $0x7;
	s13 =	sadd.s32 s4, s12;
	[dreg:$0x13] =	wrdreg s14  }
0x18: {  	s15 =	sadd.s32 $0x5000, s5;
	s20 =	sadd.s32 $0x7800, s5;
	[dreg:$0xd] =	wrdreg s24  }
0x19: {  	s22 =	sadd.s32 $0xC800, s5;
	s12 =	simm.s32 $0x40;
	[dreg:$0x11] =	wrdreg s13  }
0x1a: {  	s14 =	simm.s32 $0x14040;
	s9 =	sadd.s32 s9, s2;
	[dreg:$0x14] =	wrdreg s15  }
0x1b: {  	s23 =	sadd.s32 s11, s2;
	s11 =	sshll.u32 s26, $0x7;
	[dreg:$0x15] =	wrdreg s20  }
0x1c: {  	[dreg:$0x17] =	wrdreg s22;
	s24 =	sadd.s32 $0x11800, s5;
	s13 =	simm.s32 $0x3D  }
0x1d: {  	s15 =	simm.s32 $0x18800;
	s20 =	simm.s32 $0x1;
	[dreg:$0x8] =	wrdreg s9  }
0x1e: {  	s22 =	simm.s32 $0x1C800;
	s9 =	sadd.s32 s4, s18;
	[dreg:$0xc] =	wrdreg s23  }
0x1f: {  	s8 =	sshrl.u32 s8, $0x3;
	s23 =	sadd.s32 $0xF000, s5;
	[dreg:$0x19] =	wrdreg s24  }
0x20: {  	s24 =	simm.s32 $0x2;
	[dreg:$0x9] =	wrdreg s9;
	s9 =	sadd.s32 s19, s2  }
0x21: {  	s16 =	sadd.s32 s1, s8;
	s17 =	sadd.s32 s7, s8;
	[dreg:$0x18] =	wrdreg s23  }
0x22: {  	s8 =	sadd.s32 $0x280, s8;
	s23 =	simm.s32 $0x7D;
	[dreg:$0xa] =	wrdreg s9  }
0x23: {  	s9 =	sadd.s32 s4, s21;
	s18 =	sadd.s32 s1, s8;
	s19 =	sadd.s32 s7, s8  }
0x24: {  	s8 =	sshll.u32 s26, $0x4;
	s7 =	sadd.s32 s11, s2;
	s26 =	smax.u32 s6, $0x1  }
0x25: {  	s21 =	sadd.s32 $0xA000, s5;
	s11 =	simm.s32 $0x15400;
	[dreg:$0xb] =	wrdreg s9  }
0x26: {  	s9 =	sadd.s32 s25, s2;
	s1 =	sadd.s32 s4, s8;
	[dreg:$0x10] =	wrdreg s7  }
0x27: {  	s25 =	sadd.s32 $0x3DC00, s0;
	[dreg:$0x16] =	wrdreg s21;
	s8 =	simm.s32 $0x16800  }
0x28: {  	s21 =	simm.s32 $0x1A800;
	[dreg:$0xf] =	wrdreg s1;
	s1 =	sshll.u32 s10, $0x7  }
0x29: {  	s0 =	simm.s32 $0x0;
	[dreg:$0xe] =	wrdreg s9;
	s1 =	sadd.s32 s1, s2  }
0x2a: {  	v0 =	vimm.f32 $0.0e+00;
	s9 =	simm.s32 $0x3;
	s10 =	simm.s32 $0x14000;
	[dreg:$0x12] =	wrdreg s1  }
.LBB2_1:
.Ltmp0:
0x2b: {  	(pc) =	sbr.rel @!p0 .LBB2_3-.Ltmp0, $2  }
0x2c: {  	_ =	sdelay $0x2  }
0x2d: {  	s1 =	simm.s32 $0x1C0  }
0x2e: {  	s1 =	rddreg [dreg:$0x4]  }
0x2f: {  	[tilespmem:s8], [sflag:$0x3] =	stream.linear.gather [hbm4b:s1+s3], $0x2800, $0x38;
	[tilespmem:$0x1E800] =	vst v63  }
0x30: {  	_ =	swait.ge [sflag:s9], $0x2800  }
0x31: {  	[sflag:s9] =	ssyncset.done $0x0  }
0x32: {  	[sflag:s9] =	ssyncadd.s32 $0xFFFFD800  }
0x33: {  	[spmem:s5] =	stream.linear.scatter [tilespmem:s8], [sflag:$0x3], $0x2800, $0x38;
	[tilespmem:$0x1E800] =	vst v63  }
0x34: {  	_ =	swait.ge [sflag:s9], $0x2800  }
0x35: {  	[sflag:s9] =	ssyncset.done $0x0  }
0x36: {  	s6 =	rddreg [dreg:$0x5];
	[sflag:s9] =	ssyncadd.s32 $0xFFFFD800  }
0x37: {  	[tilespmem:s8], [sflag:$0x3] =	stream.linear.gather [hbm4b:s6+s3], $0x2800, $0x38;
	[tilespmem:$0x1E800] =	vst v63  }
0x38: {  	_ =	swait.ge [sflag:s9], $0x2800  }
0x39: {  	[sflag:s9] =	ssyncset.done $0x0  }
0x3a: {  	s7 =	rddreg [dreg:$0x6];
	[sflag:s9] =	ssyncadd.s32 $0xFFFFD800  }
0x3b: {  	[spmem:s7] =	stream.linear.scatter [tilespmem:s8], [sflag:$0x3], $0x2800, $0x38;
	[tilespmem:$0x1E800] =	vst v63  }
0x3c: {  	_ =	swait.ge [sflag:s9], $0x2800  }
0x3d: {  	[sflag:s9] =	ssyncset.done $0x0  }
0x3e: {  	s6 =	rddreg [dreg:$0x7];
	[sflag:s9] =	ssyncadd.s32 $0xFFFFD800  }
0x3f: {  	[tilespmem:s8], [sflag:$0x3] =	stream.linear.gather [hbm4b:s6+s3], $0x2800, $0x38;
	[tilespmem:$0x1E800] =	vst v63  }
0x40: {  	_ =	swait.ge [sflag:s9], $0x2800  }
0x41: {  	[sflag:s9] =	ssyncset.done $0x0  }
0x42: {  	s7 =	rddreg [dreg:$0x8];
	[sflag:s9] =	ssyncadd.s32 $0xFFFFD800  }
0x43: {  	[spmem:s7] =	stream.linear.scatter [tilespmem:s8], [sflag:$0x3], $0x2800, $0x38;
	[tilespmem:$0x1E800] =	vst v63  }
0x44: {  	_ =	swait.ge [sflag:s9], $0x2800  }
0x45: {  	[sflag:s9] =	ssyncset.done $0x0  }
0x46: {  	s6 =	rddreg [dreg:$0x9];
	[sflag:s9] =	ssyncadd.s32 $0xFFFFD800  }
0x47: {  	[tilespmem:s8], [sflag:$0x3] =	stream.linear.gather [hbm4b:s6+s3], $0x2800, $0x38;
	[tilespmem:$0x1E800] =	vst v63  }
0x48: {  	_ =	swait.ge [sflag:s9], $0x2800  }
0x49: {  	[sflag:s9] =	ssyncset.done $0x0  }
0x4a: {  	s7 =	rddreg [dreg:$0xa];
	[sflag:s9] =	ssyncadd.s32 $0xFFFFD800  }
0x4b: {  	[spmem:s7] =	stream.linear.scatter [tilespmem:s8], [sflag:$0x3], $0x2800, $0x38;
	[tilespmem:$0x1E800] =	vst v63  }
0x4c: {  	_ =	swait.ge [sflag:s9], $0x2800  }
0x4d: {  	[sflag:s9] =	ssyncset.done $0x0  }
0x4e: {  	s6 =	rddreg [dreg:$0xb];
	[sflag:s9] =	ssyncadd.s32 $0xFFFFD800  }
0x4f: {  	[tilespmem:s8], [sflag:$0x3] =	stream.linear.gather [hbm4b:s6+s3], $0x2800, $0x38;
	[tilespmem:$0x1E800] =	vst v63  }
0x50: {  	_ =	swait.ge [sflag:s9], $0x2800  }
0x51: {  	[sflag:s9] =	ssyncset.done $0x0  }
0x52: {  	s7 =	rddreg [dreg:$0xc];
	[sflag:s9] =	ssyncadd.s32 $0xFFFFD800  }
0x53: {  	[spmem:s7] =	stream.linear.scatter [tilespmem:s8], [sflag:$0x3], $0x2800, $0x38;
	[tilespmem:$0x1E800] =	vst v63  }
0x54: {  	_ =	swait.ge [sflag:s9], $0x2800  }
0x55: {  	[sflag:s9] =	ssyncset.done $0x0  }
0x56: {  	s6 =	rddreg [dreg:$0xd];
	[sflag:s9] =	ssyncadd.s32 $0xFFFFD800  }
0x57: {  	[tilespmem:s8], [sflag:$0x3] =	stream.linear.gather [hbm4b:s6+s3], $0x2800, $0x38;
	[tilespmem:$0x1E800] =	vst v63  }
0x58: {  	_ =	swait.ge [sflag:s9], $0x2800  }
0x59: {  	[sflag:s9] =	ssyncset.done $0x0  }
0x5a: {  	s7 =	rddreg [dreg:$0xe];
	[sflag:s9] =	ssyncadd.s32 $0xFFFFD800  }
0x5b: {  	[spmem:s7] =	stream.linear.scatter [tilespmem:s8], [sflag:$0x3], $0x2800, $0x38;
	[tilespmem:$0x1E800] =	vst v63  }
0x5c: {  	_ =	swait.ge [sflag:s9], $0x2800  }
0x5d: {  	[sflag:s9] =	ssyncset.done $0x0  }
0x5e: {  	s6 =	rddreg [dreg:$0xf];
	[sflag:s9] =	ssyncadd.s32 $0xFFFFD800  }
0x5f: {  	[tilespmem:s8], [sflag:$0x3] =	stream.linear.gather [hbm4b:s6+s3], $0x2800, $0x38;
	[tilespmem:$0x1E800] =	vst v63  }
0x60: {  	_ =	swait.ge [sflag:s9], $0x2800  }
0x61: {  	[sflag:s9] =	ssyncset.done $0x0  }
0x62: {  	s7 =	rddreg [dreg:$0x10];
	[sflag:s9] =	ssyncadd.s32 $0xFFFFD800  }
0x63: {  	[spmem:s7] =	stream.linear.scatter [tilespmem:s8], [sflag:$0x3], $0x2800, $0x38;
	[tilespmem:$0x1E800] =	vst v63  }
0x64: {  	_ =	swait.ge [sflag:s9], $0x2800  }
0x65: {  	[sflag:s9] =	ssyncset.done $0x0  }
0x66: {  	s6 =	rddreg [dreg:$0x11];
	[sflag:s9] =	ssyncadd.s32 $0xFFFFD800  }
0x67: {  	[tilespmem:s8], [sflag:$0x3] =	stream.linear.gather [hbm4b:s6+s3], $0x2800, $0x38;
	[tilespmem:$0x1E800] =	vst v63  }
.Ltmp1:
0x68: {  	_ = 	snop;
	(pc) =	sbr.rel .LBB2_6-.Ltmp1, $4  }
0x69: {  	_ =	swait.ge [sflag:s9], $0x2800  }
0x6a: {  	[sflag:s9] =	ssyncset.done $0x0  }
0x6b: {  	s7 =	rddreg [dreg:$0x12];
	[sflag:s9] =	ssyncadd.s32 $0xFFFFD800  }
0x6c: {  	[spmem:s7] =	stream.linear.scatter [tilespmem:s8], [sflag:$0x3], $0x2800, $0x38;
	[tilespmem:$0x1E800] =	vst v63  }
.LBB2_3:
0x6d: {  	s6 =	sshra.s32 s1, $0x2;
	s1 =	sadd.s32 $0x200, s1  }
.LBB2_4:
0x6e: {  	p1 =	sne.s32 s1, $0x9FC0;
	[tilespmem:s6+$0x16800] =	vst v0  }
0x6f: {  	[tilespmem:s6+$0x16790] =	vst v0  }
0x70: {  	[tilespmem:s6+$0x167A0] =	vst v0  }
.Ltmp2:
0x71: {  	[tilespmem:s6+$0x167B0] =	vst v0;
	(pc) =	sbr.rel @p1 .LBB2_4-.Ltmp2, $4  }
0x72: {  	[tilespmem:s6+$0x167C0] =	vst v0  }
0x73: {  	[tilespmem:s6+$0x167D0] =	vst v0  }
0x74: {  	[tilespmem:s6+$0x167E0] =	vst v0  }
0x75: {  	[tilespmem:s6+$0x167F0] =	vst v0;
	s6 =	sshra.s32 s1, $0x2;
	s1 =	sadd.s32 $0x200, s1  }
0x76: {  	[tilespmem:s6+$0x16800] =	vst v0  }
0x77: {  	[tilespmem:s6+$0x16790] =	vst v0  }
0x78: {  	[tilespmem:s6+$0x167A0] =	vst v0  }
0x79: {  	[tilespmem:s6+$0x167B0] =	vst v0  }
0x7a: {  	[tilespmem:s6+$0x167C0] =	vst v0  }
0x7b: {  	[tilespmem:s6+$0x167D0] =	vst v0  }
0x7c: {  	[tilespmem:s6+$0x167E0] =	vst v0  }
0x7d: {  	[tilespmem:s6+$0x167F0] =	vst v0  }
0x7e: {  	[spmem:s5] =	stream.linear.scatter [tilespmem:s8], [sflag:$0x3], $0x2800, $0x38;
	[tilespmem:$0x1E800] =	vst v63  }
0x7f: {  	_ =	swait.ge [sflag:s9], $0x2800  }
0x80: {  	[sflag:s9] =	ssyncset.done $0x0  }
0x81: {  	s1 =	rddreg [dreg:$0x13];
	[sflag:s9] =	ssyncadd.s32 $0xFFFFD800  }
0x82: {  	[spmem:s1] =	stream.linear.scatter [tilespmem:s8], [sflag:$0x3], $0x2800, $0x38;
	[tilespmem:$0x1E800] =	vst v63  }
0x83: {  	_ =	swait.ge [sflag:s9], $0x2800  }
0x84: {  	[sflag:s9] =	ssyncset.done $0x0  }
0x85: {  	s6 =	rddreg [dreg:$0x14];
	[sflag:s9] =	ssyncadd.s32 $0xFFFFD800  }
0x86: {  	[spmem:s6] =	stream.linear.scatter [tilespmem:s8], [sflag:$0x3], $0x2800, $0x38;
	[tilespmem:$0x1E800] =	vst v63  }
0x87: {  	_ =	swait.ge [sflag:s9], $0x2800  }
0x88: {  	[sflag:s9] =	ssyncset.done $0x0  }
0x89: {  	s7 =	rddreg [dreg:$0x15];
	[sflag:s9] =	ssyncadd.s32 $0xFFFFD800  }
0x8a: {  	[spmem:s7] =	stream.linear.scatter [tilespmem:s8], [sflag:$0x3], $0x2800, $0x38;
	[tilespmem:$0x1E800] =	vst v63  }
0x8b: {  	_ =	swait.ge [sflag:s9], $0x2800  }
0x8c: {  	[sflag:s9] =	ssyncset.done $0x0  }
0x8d: {  	s6 =	rddreg [dreg:$0x16];
	[sflag:s9] =	ssyncadd.s32 $0xFFFFD800  }
0x8e: {  	[spmem:s6] =	stream.linear.scatter [tilespmem:s8], [sflag:$0x3], $0x2800, $0x38;
	[tilespmem:$0x1E800] =	vst v63  }
0x8f: {  	_ =	swait.ge [sflag:s9], $0x2800  }
0x90: {  	[sflag:s9] =	ssyncset.done $0x0  }
0x91: {  	s7 =	rddreg [dreg:$0x17];
	[sflag:s9] =	ssyncadd.s32 $0xFFFFD800  }
0x92: {  	[spmem:s7] =	stream.linear.scatter [tilespmem:s8], [sflag:$0x3], $0x2800, $0x38;
	[tilespmem:$0x1E800] =	vst v63  }
0x93: {  	_ =	swait.ge [sflag:s9], $0x2800  }
0x94: {  	[sflag:s9] =	ssyncset.done $0x0  }
0x95: {  	s6 =	rddreg [dreg:$0x18];
	[sflag:s9] =	ssyncadd.s32 $0xFFFFD800  }
0x96: {  	[spmem:s6] =	stream.linear.scatter [tilespmem:s8], [sflag:$0x3], $0x2800, $0x38;
	[tilespmem:$0x1E800] =	vst v63  }
0x97: {  	_ =	swait.ge [sflag:s9], $0x2800  }
0x98: {  	[sflag:s9] =	ssyncset.done $0x0  }
0x99: {  	s7 =	rddreg [dreg:$0x19];
	[sflag:s9] =	ssyncadd.s32 $0xFFFFD800  }
0x9a: {  	[spmem:s7] =	stream.linear.scatter [tilespmem:s8], [sflag:$0x3], $0x2800, $0x38;
	[tilespmem:$0x1E800] =	vst v63  }
.LBB2_6:
0x9b: {  	_ =	swait.ge [sflag:s9], $0x2800  }
0x9c: {  	[sflag:s9] =	ssyncset.done $0x0  }
0x9d: {  	[sflag:s9] =	ssyncadd.s32 $0xFFFFD800  }
0x9e: {  	s1 =	simm.s32 $0x0;
	[bflag:$0x0] =	sbarrier.arrive $0xFFFF  }
0x9f: {  	[tilespmem:s10], [sflag:$0x3] =	stream.linear.gather [hbm4b:s16+s1], $0x1400, $0x38;
	[tilespmem:$0x1E800] =	vst v63  }
0xa0: {  	_ =	swait.ge [sflag:s9], $0x1400  }
0xa1: {  	[sflag:s9] =	ssyncset.done $0x0  }
0xa2: {  	[sflag:s9] =	ssyncadd.s32 $0xFFFFEC00  }
0xa3: {  	[tilespmem:s11], [sflag:$0x3] =	stream.linear.gather [hbm4b:s17+s1], $0x1400, $0x38;
	[tilespmem:$0x1E800] =	vst v63  }
0xa4: {  	_ =	swait.ge [sflag:s9], $0x1400  }
0xa5: {  	[sflag:s9] =	ssyncset.done $0x0  }
0xa6: {  	[sflag:s9] =	ssyncadd.s32 $0xFFFFEC00  }
0xa7: {  	[tilespmem:s8], [sflag:$0x1] =	stream.indirect.gather [hbm4b:s4+s12], $0x80, s10, s12, $0xb8;
	[tilespmem:$0x1E800] =	vst v63  }
0xa8: {  	_ = 	snop  }
0xa9: {  	[tilespmem:s15], [sflag:$0x1] =	stream.indirect.gather [hbm4b:s4+s13], $0x80, s14, s13, $0xb8;
	[tilespmem:$0x1E800] =	vst v63  }
0xaa: {  	_ =	swait.ge [sflag:s20], $0x2000  }
0xab: {  	[sflag:s20] =	ssyncset.done $0x0  }
0xac: {  	[sflag:s20] =	ssyncadd.s32 $0xFFFFE000  }
0xad: {  	_ =	swait.ge [sflag:s20], $0x1E80  }
0xae: {  	[sflag:s20] =	ssyncset.done $0x0  }
0xaf: {  	s6 =	simm.s32 $0x14080;
	[sflag:s20] =	ssyncadd.s32 $0xFFFFE180  }
0xb0: {  	[tilespmem:s21], [sflag:$0x2] =	stream.indirect.gather [hbm4b:s4+s12], $0x80, s6, s12, $0xb8;
	[tilespmem:$0x1E800] =	vst v63  }
0xb1: {  	s7 =	simm.s32 $0x140C0  }
0xb2: {  	[tilespmem:s22], [sflag:$0x2] =	stream.indirect.gather [hbm4b:s4+s13], $0x80, s7, s13, $0xb8;
	[tilespmem:$0x1E800] =	vst v63  }
0xb3: {  	s6 =	simm.s32 $0x15400  }
0xb4: {  	[spmem:s2] =	stream.indirect.scatter.add.f32 [tilespmem:s8], [sflag:$0x3], $0x80, s6, s23, $0xb8;
	[tilespmem:$0x1E800] =	vst v63  }
0xb5: {  	_ =	swait.ge [sflag:s9], $0x3E80  }
0xb6: {  	[sflag:s9] =	ssyncset.done $0x0  }
0xb7: {  	[sflag:s9] =	ssyncadd.s32 $0xFFFFC180  }
0xb8: {  	_ =	swait.ge [sflag:s24], $0x2000  }
0xb9: {  	[sflag:s24] =	ssyncset.done $0x0  }
0xba: {  	[sflag:s24] =	ssyncadd.s32 $0xFFFFE000  }
0xbb: {  	_ =	swait.ge [sflag:s24], $0x1E80  }
0xbc: {  	[sflag:s24] =	ssyncset.done $0x0  }
0xbd: {  	s7 =	simm.s32 $0x14100;
	[sflag:s24] =	ssyncadd.s32 $0xFFFFE180  }
0xbe: {  	[tilespmem:s8], [sflag:$0x1] =	stream.indirect.gather [hbm4b:s4+s12], $0x80, s7, s12, $0xb8;
	[tilespmem:$0x1E800] =	vst v63  }
0xbf: {  	s6 =	simm.s32 $0x14140  }
0xc0: {  	[tilespmem:s15], [sflag:$0x1] =	stream.indirect.gather [hbm4b:s4+s13], $0x80, s6, s13, $0xb8;
	[tilespmem:$0x1E800] =	vst v63  }
0xc1: {  	s7 =	simm.s32 $0x15480  }
0xc2: {  	[spmem:s2] =	stream.indirect.scatter.add.f32 [tilespmem:s21], [sflag:$0x3], $0x80, s7, s23, $0xb8;
	[tilespmem:$0x1E800] =	vst v63  }
0xc3: {  	_ =	swait.ge [sflag:s9], $0x3E80  }
0xc4: {  	s6 =	simm.s32 $0x400;
	[sflag:s9] =	ssyncset.done $0x0  }
.LBB2_7:
0xc5: {  	p1 =	sne.s32 s6, $0x4800  }
0xc6: {  	[sflag:s9] =	ssyncadd.s32 $0xFFFFC180;
	s1 =	smov.u32 s6;
	s6 =	sadd.s32 $0x400, s6  }
0xc7: {  	_ = 	snop  }
0xc8: {  	_ =	swait.ge [sflag:s20], $0x2000  }
0xc9: {  	[sflag:s20] =	ssyncset.done $0x0  }
0xca: {  	[sflag:s20] =	ssyncadd.s32 $0xFFFFE000  }
0xcb: {  	_ =	swait.ge [sflag:s20], $0x1E80  }
0xcc: {  	s1 =	sshra.s32 s1, $0x2;
	[sflag:s20] =	ssyncset.done $0x0  }
0xcd: {  	s7 =	sadd.s32 $0x14080, s1;
	[sflag:s20] =	ssyncadd.s32 $0xFFFFE180  }
0xce: {  	[tilespmem:s21], [sflag:$0x2] =	stream.indirect.gather [hbm4b:s4+s12], $0x80, s7, s12, $0xb8;
	[tilespmem:$0x1E800] =	vst v63  }
0xcf: {  	s7 =	sadd.s32 $0x140C0, s1  }
0xd0: {  	[tilespmem:s22], [sflag:$0x2] =	stream.indirect.gather [hbm4b:s4+s13], $0x80, s7, s13, $0xb8;
	[tilespmem:$0x1E800] =	vst v63  }
0xd1: {  	s7 =	sadd.s32 $0x15400, s1  }
0xd2: {  	[spmem:s2] =	stream.indirect.scatter.add.f32 [tilespmem:s8], [sflag:$0x3], $0x80, s7, s23, $0xb8;
	[tilespmem:$0x1E800] =	vst v63  }
0xd3: {  	_ =	swait.ge [sflag:s9], $0x3E80  }
0xd4: {  	[sflag:s9] =	ssyncset.done $0x0  }
0xd5: {  	[sflag:s9] =	ssyncadd.s32 $0xFFFFC180  }
0xd6: {  	_ =	swait.ge [sflag:s24], $0x2000  }
0xd7: {  	[sflag:s24] =	ssyncset.done $0x0  }
0xd8: {  	[sflag:s24] =	ssyncadd.s32 $0xFFFFE000  }
0xd9: {  	_ =	swait.ge [sflag:s24], $0x1E80  }
0xda: {  	[sflag:s24] =	ssyncset.done $0x0  }
0xdb: {  	s7 =	sadd.s32 $0x14100, s1;
	[sflag:s24] =	ssyncadd.s32 $0xFFFFE180  }
0xdc: {  	[tilespmem:s8], [sflag:$0x1] =	stream.indirect.gather [hbm4b:s4+s12], $0x80, s7, s12, $0xb8;
	[tilespmem:$0x1E800] =	vst v63  }
0xdd: {  	s7 =	sadd.s32 $0x14140, s1  }
0xde: {  	[tilespmem:s15], [sflag:$0x1] =	stream.indirect.gather [hbm4b:s4+s13], $0x80, s7, s13, $0xb8;
	[tilespmem:$0x1E800] =	vst v63  }
.Ltmp3:
0xdf: {  	_ = 	snop;
	(pc) =	sbr.rel @p1 .LBB2_7-.Ltmp3, $4  }
0xe0: {  	s1 =	sadd.s32 $0x15480, s1  }
0xe1: {  	[spmem:s2] =	stream.indirect.scatter.add.f32 [tilespmem:s21], [sflag:$0x3], $0x80, s1, s23, $0xb8;
	[tilespmem:$0x1E800] =	vst v63  }
0xe2: {  	_ =	swait.ge [sflag:s9], $0x3E80  }
0xe3: {  	[sflag:s9] =	ssyncset.done $0x0  }
0xe4: {  	[sflag:s9] =	ssyncadd.s32 $0xFFFFC180  }
0xe5: {  	_ =	swait.ge [sflag:s20], $0x2000  }
0xe6: {  	[sflag:s20] =	ssyncset.done $0x0  }
0xe7: {  	[sflag:s20] =	ssyncadd.s32 $0xFFFFE000  }
0xe8: {  	_ =	swait.ge [sflag:s20], $0x1E80  }
0xe9: {  	[sflag:s20] =	ssyncset.done $0x0  }
0xea: {  	[sflag:s20] =	ssyncadd.s32 $0xFFFFE180  }
0xeb: {  	[tilespmem:s21], [sflag:$0x2] =	stream.indirect.gather [hbm4b:s4+s12], $0x80, s28, s12, $0xb8;
	[tilespmem:$0x1E800] =	vst v63  }
0xec: {  	_ = 	snop  }
0xed: {  	[tilespmem:s22], [sflag:$0x2] =	stream.indirect.gather [hbm4b:s4+s13], $0x80, s29, s13, $0xb8;
	[tilespmem:$0x1E800] =	vst v63  }
0xee: {  	_ = 	snop  }
0xef: {  	[spmem:s2] =	stream.indirect.scatter.add.f32 [tilespmem:s8], [sflag:$0x3], $0x80, s30, s23, $0xb8;
	[tilespmem:$0x1E800] =	vst v63  }
0xf0: {  	_ =	swait.ge [sflag:s9], $0x3E80  }
0xf1: {  	[sflag:s9] =	ssyncset.done $0x0  }
0xf2: {  	[sflag:s9] =	ssyncadd.s32 $0xFFFFC180  }
0xf3: {  	_ =	swait.ge [sflag:s24], $0x2000  }
0xf4: {  	[sflag:s24] =	ssyncset.done $0x0  }
0xf5: {  	[sflag:s24] =	ssyncadd.s32 $0xFFFFE000  }
0xf6: {  	_ =	swait.ge [sflag:s24], $0x1E80  }
0xf7: {  	[sflag:s24] =	ssyncset.done $0x0  }
0xf8: {  	[sflag:s24] =	ssyncadd.s32 $0xFFFFE180  }
0xf9: {  	[spmem:s2] =	stream.indirect.scatter.add.f32 [tilespmem:s21], [sflag:$0x3], $0x80, s31, s23, $0xb8;
	[tilespmem:$0x1E800] =	vst v63  }
0xfa: {  	_ =	swait.ge [sflag:s9], $0x3E80  }
0xfb: {  	[sflag:s9] =	ssyncset.done $0x0  }
0xfc: {  	s1 =	simm.s32 $0x0;
	[sflag:s9] =	ssyncadd.s32 $0xFFFFC180  }
0xfd: {  	[tilespmem:s10], [sflag:$0x3] =	stream.linear.gather [hbm4b:s18+s1], $0x1400, $0x38;
	[tilespmem:$0x1E800] =	vst v63  }
0xfe: {  	_ =	swait.ge [sflag:s9], $0x1400  }
0xff: {  	[sflag:s9] =	ssyncset.done $0x0  }
0x100: {  	[sflag:s9] =	ssyncadd.s32 $0xFFFFEC00  }
0x101: {  	[tilespmem:s11], [sflag:$0x3] =	stream.linear.gather [hbm4b:s19+s1], $0x1400, $0x38;
	[tilespmem:$0x1E800] =	vst v63  }
0x102: {  	_ =	swait.ge [sflag:s9], $0x1400  }
0x103: {  	[sflag:s9] =	ssyncset.done $0x0  }
0x104: {  	[sflag:s9] =	ssyncadd.s32 $0xFFFFEC00  }
0x105: {  	[tilespmem:s8], [sflag:$0x1] =	stream.indirect.gather [hbm4b:s4+s12], $0x80, s10, s12, $0xb8;
	[tilespmem:$0x1E800] =	vst v63  }
0x106: {  	_ = 	snop  }
0x107: {  	[tilespmem:s15], [sflag:$0x1] =	stream.indirect.gather [hbm4b:s4+s13], $0x80, s14, s13, $0xb8;
	[tilespmem:$0x1E800] =	vst v63  }
0x108: {  	_ =	swait.ge [sflag:s20], $0x2000  }
0x109: {  	[sflag:s20] =	ssyncset.done $0x0  }
0x10a: {  	[sflag:s20] =	ssyncadd.s32 $0xFFFFE000  }
0x10b: {  	_ =	swait.ge [sflag:s20], $0x1E80  }
0x10c: {  	[sflag:s20] =	ssyncset.done $0x0  }
0x10d: {  	s6 =	simm.s32 $0x14080;
	[sflag:s20] =	ssyncadd.s32 $0xFFFFE180  }
0x10e: {  	[tilespmem:s21], [sflag:$0x2] =	stream.indirect.gather [hbm4b:s4+s12], $0x80, s6, s12, $0xb8;
	[tilespmem:$0x1E800] =	vst v63  }
0x10f: {  	s7 =	simm.s32 $0x140C0  }
0x110: {  	[tilespmem:s22], [sflag:$0x2] =	stream.indirect.gather [hbm4b:s4+s13], $0x80, s7, s13, $0xb8;
	[tilespmem:$0x1E800] =	vst v63  }
0x111: {  	s6 =	simm.s32 $0x15400  }
0x112: {  	[spmem:s2] =	stream.indirect.scatter.add.f32 [tilespmem:s8], [sflag:$0x3], $0x80, s6, s23, $0xb8;
	[tilespmem:$0x1E800] =	vst v63  }
0x113: {  	_ =	swait.ge [sflag:s9], $0x3E80  }
0x114: {  	[sflag:s9] =	ssyncset.done $0x0  }
0x115: {  	[sflag:s9] =	ssyncadd.s32 $0xFFFFC180  }
0x116: {  	_ =	swait.ge [sflag:s24], $0x2000  }
0x117: {  	[sflag:s24] =	ssyncset.done $0x0  }
0x118: {  	[sflag:s24] =	ssyncadd.s32 $0xFFFFE000  }
0x119: {  	_ =	swait.ge [sflag:s24], $0x1E80  }
0x11a: {  	[sflag:s24] =	ssyncset.done $0x0  }
0x11b: {  	s7 =	simm.s32 $0x14100;
	[sflag:s24] =	ssyncadd.s32 $0xFFFFE180  }
0x11c: {  	[tilespmem:s8], [sflag:$0x1] =	stream.indirect.gather [hbm4b:s4+s12], $0x80, s7, s12, $0xb8;
	[tilespmem:$0x1E800] =	vst v63  }
0x11d: {  	s6 =	simm.s32 $0x14140  }
0x11e: {  	[tilespmem:s15], [sflag:$0x1] =	stream.indirect.gather [hbm4b:s4+s13], $0x80, s6, s13, $0xb8;
	[tilespmem:$0x1E800] =	vst v63  }
0x11f: {  	s7 =	simm.s32 $0x15480  }
0x120: {  	[spmem:s2] =	stream.indirect.scatter.add.f32 [tilespmem:s21], [sflag:$0x3], $0x80, s7, s23, $0xb8;
	[tilespmem:$0x1E800] =	vst v63  }
0x121: {  	_ =	swait.ge [sflag:s9], $0x3E80  }
0x122: {  	s6 =	simm.s32 $0x400;
	[sflag:s9] =	ssyncset.done $0x0  }
.LBB2_9:
0x123: {  	p1 =	sne.s32 s6, $0x4800  }
0x124: {  	[sflag:s9] =	ssyncadd.s32 $0xFFFFC180;
	s1 =	smov.u32 s6;
	s6 =	sadd.s32 $0x400, s6  }
0x125: {  	_ = 	snop  }
0x126: {  	_ =	swait.ge [sflag:s20], $0x2000  }
0x127: {  	[sflag:s20] =	ssyncset.done $0x0  }
0x128: {  	[sflag:s20] =	ssyncadd.s32 $0xFFFFE000  }
0x129: {  	_ =	swait.ge [sflag:s20], $0x1E80  }
0x12a: {  	s1 =	sshra.s32 s1, $0x2;
	[sflag:s20] =	ssyncset.done $0x0  }
0x12b: {  	s7 =	sadd.s32 $0x14080, s1;
	[sflag:s20] =	ssyncadd.s32 $0xFFFFE180  }
0x12c: {  	[tilespmem:s21], [sflag:$0x2] =	stream.indirect.gather [hbm4b:s4+s12], $0x80, s7, s12, $0xb8;
	[tilespmem:$0x1E800] =	vst v63  }
0x12d: {  	s7 =	sadd.s32 $0x140C0, s1  }
0x12e: {  	[tilespmem:s22], [sflag:$0x2] =	stream.indirect.gather [hbm4b:s4+s13], $0x80, s7, s13, $0xb8;
	[tilespmem:$0x1E800] =	vst v63  }
0x12f: {  	s7 =	sadd.s32 $0x15400, s1  }
0x130: {  	[spmem:s2] =	stream.indirect.scatter.add.f32 [tilespmem:s8], [sflag:$0x3], $0x80, s7, s23, $0xb8;
	[tilespmem:$0x1E800] =	vst v63  }
0x131: {  	_ =	swait.ge [sflag:s9], $0x3E80  }
0x132: {  	[sflag:s9] =	ssyncset.done $0x0  }
0x133: {  	[sflag:s9] =	ssyncadd.s32 $0xFFFFC180  }
0x134: {  	_ =	swait.ge [sflag:s24], $0x2000  }
0x135: {  	[sflag:s24] =	ssyncset.done $0x0  }
0x136: {  	[sflag:s24] =	ssyncadd.s32 $0xFFFFE000  }
0x137: {  	_ =	swait.ge [sflag:s24], $0x1E80  }
0x138: {  	[sflag:s24] =	ssyncset.done $0x0  }
0x139: {  	s7 =	sadd.s32 $0x14100, s1;
	[sflag:s24] =	ssyncadd.s32 $0xFFFFE180  }
0x13a: {  	[tilespmem:s8], [sflag:$0x1] =	stream.indirect.gather [hbm4b:s4+s12], $0x80, s7, s12, $0xb8;
	[tilespmem:$0x1E800] =	vst v63  }
0x13b: {  	s7 =	sadd.s32 $0x14140, s1  }
0x13c: {  	[tilespmem:s15], [sflag:$0x1] =	stream.indirect.gather [hbm4b:s4+s13], $0x80, s7, s13, $0xb8;
	[tilespmem:$0x1E800] =	vst v63  }
.Ltmp4:
0x13d: {  	_ = 	snop;
	(pc) =	sbr.rel @p1 .LBB2_9-.Ltmp4, $4  }
0x13e: {  	s1 =	sadd.s32 $0x15480, s1  }
0x13f: {  	[spmem:s2] =	stream.indirect.scatter.add.f32 [tilespmem:s21], [sflag:$0x3], $0x80, s1, s23, $0xb8;
	[tilespmem:$0x1E800] =	vst v63  }
0x140: {  	_ =	swait.ge [sflag:s9], $0x3E80  }
0x141: {  	[sflag:s9] =	ssyncset.done $0x0  }
0x142: {  	[sflag:s9] =	ssyncadd.s32 $0xFFFFC180  }
0x143: {  	_ =	swait.ge [sflag:s20], $0x2000  }
0x144: {  	[sflag:s20] =	ssyncset.done $0x0  }
0x145: {  	[sflag:s20] =	ssyncadd.s32 $0xFFFFE000  }
0x146: {  	_ =	swait.ge [sflag:s20], $0x1E80  }
0x147: {  	[sflag:s20] =	ssyncset.done $0x0  }
0x148: {  	[sflag:s20] =	ssyncadd.s32 $0xFFFFE180  }
0x149: {  	[tilespmem:s21], [sflag:$0x2] =	stream.indirect.gather [hbm4b:s4+s12], $0x80, s28, s12, $0xb8;
	[tilespmem:$0x1E800] =	vst v63  }
0x14a: {  	_ = 	snop  }
0x14b: {  	[tilespmem:s22], [sflag:$0x2] =	stream.indirect.gather [hbm4b:s4+s13], $0x80, s29, s13, $0xb8;
	[tilespmem:$0x1E800] =	vst v63  }
0x14c: {  	_ = 	snop  }
0x14d: {  	[spmem:s2] =	stream.indirect.scatter.add.f32 [tilespmem:s8], [sflag:$0x3], $0x80, s30, s23, $0xb8;
	[tilespmem:$0x1E800] =	vst v63  }
0x14e: {  	_ =	swait.ge [sflag:s9], $0x3E80  }
0x14f: {  	[sflag:s9] =	ssyncset.done $0x0  }
0x150: {  	[sflag:s9] =	ssyncadd.s32 $0xFFFFC180  }
0x151: {  	_ =	swait.ge [sflag:s24], $0x2000  }
0x152: {  	[sflag:s24] =	ssyncset.done $0x0  }
0x153: {  	[sflag:s24] =	ssyncadd.s32 $0xFFFFE000  }
0x154: {  	_ =	swait.ge [sflag:s24], $0x1E80  }
0x155: {  	[sflag:s24] =	ssyncset.done $0x0  }
0x156: {  	[sflag:s24] =	ssyncadd.s32 $0xFFFFE180  }
0x157: {  	[spmem:s2] =	stream.indirect.scatter.add.f32 [tilespmem:s21], [sflag:$0x3], $0x80, s31, s23, $0xb8;
	[tilespmem:$0x1E800] =	vst v63  }
0x158: {  	s1 =	stileid.u32;
	_ =	swait.ge [sflag:s9], $0x3E80  }
0x159: {  	s6 =	sshrl.u32 s5, $0x3;
	s0 =	sadd.s32 $0x1, s0;
	[sflag:s9] =	ssyncset.done $0x0  }
0x15a: {  	s1 =	sshll.u32 s1, $0x6;
	p1 =	sne.s32 s0, s26;
	[sflag:s9] =	ssyncadd.s32 $0xFFFFC180  }
.Ltmp5:
0x15b: {  	s1 =	sor.u32 $0x1C03, s1;
	[bflag:$0x0] =	sbarrier.arrive $0xFFFF;
	(pc) =	sbr.rel @p1 .LBB2_1-.Ltmp5, $4  }
0x15c: {  	[hbm:s25], [sflag:s1] =	dma.local [spmem:s6], $0x2800  }
0x15d: {  	_ =	swait.ge [sflag:s9], $0x2800  }
0x15e: {  	[sflag:s9] =	ssyncset.done $0x0  }
0x15f: {  	[sflag:s9] =	ssyncadd.s32 $0xFFFFD800  }
0x160: {  	_ =	sfence.sel $0x180000  }
0x161: {  	[bflag:$0x0] =	sbarrier.arrive $0xFFFF  }
0x162: {  	_ =	strace $0x9000004A  }
0x163: {  	s0 =	stileid.u32;
	[bflag:$0x2] =	sbarrier.arrive $0xFFFF  }
0x164: {  	p0 =	sne.s32 s0, $0x0;
	s0 =	rddreg [dreg:$0x3]  }
0x165: {  	s0 =	sadd.s32 @!p0 $0x100000, s0  }
0x166: {  	[sflag:s0] =	ssyncadd.tile.s32 @!p0 $0x1;
	_ =	shalt  }
.Lfunc_end2:
_tile_overlayer_lowered:
.L_overlay_start_2:
0x167: {  	(tag) =	ssettag $0x2  }
0x168: {  	s0 =	rddreg [dreg:$0x0];
	s2 =	stileid.u32  }
0x169: {  	s1 =	rddreg [dreg:$0x1];
	p0 =	sne.s32 s2, $0x0  }
0x16a: {  	s3 =	rddreg [dreg:$0x2];
	[bflag:$0x3] =	sbarrier.arrive $0xFFFF;
	s2 =	simm.s32 @!p0 $0x1C03  }
0x16b: {  	[timem:s3], [sflag:s2] =	dma.local @!p0 [hbm:s0], s1  }
0x16c: {  	s0 =	simm.s32 @!p0 $0x3  }
0x16d: {  	_ =	swait.ge @!p0 [sflag:s0], s1  }
0x16e: {  	s1 =	ssub.s32 @!p0 $0x0, s1;
	[sflag:s0] =	ssyncset.done @!p0 $0x0  }
0x16f: {  	[sflag:s0] =	ssyncadd.s32 @!p0 s1  }
0x170: {  	[bflag:$0x3] =	sbarrier.arrive $0xFFFF  }
0x171: {  	_ =	shalt  }

</sc_bundles>
